<compile_context>
chip_gen: v7x
topology: tpu7x:2x2x1
jax: 0.10.2.dev20260603
libtpu: 0.0.44.dev20260713+nightly
codegen_flags: <defaults>
</compile_context>

<pallas_src>
import functools

import jax
import jax.numpy as jnp
from jax import lax
from jax.experimental import pallas as pl
from jax.experimental.pallas import tpu as pltpu
from jax.experimental.pallas import tpu_sc as plsc

D = 384
NC = 2
NS = 16
NW = NC * NS
CH = 128


@functools.lru_cache(maxsize=None)
def _build(batch, seq):
    B = batch * seq
    bpw = B // NW
    nch = bpw // CH
    wpr = seq // bpw
    mesh = plsc.VectorSubcoreMesh(core_axis_name="c", subcore_axis_name="s")

    first = [(0, 32), (32, 96)] + [(j, CH) for j in range(CH, bpw, CH)]
    rest = [(j, CH) for j in range(0, bpw, CH)]

    @functools.partial(
        pl.kernel,
        out_type=[jax.ShapeDtypeStruct((B, D), jnp.float32)] * 6,
        mesh=mesh,
        scratch_types=[
            pltpu.VMEM((bpw,), jnp.int32),
            pltpu.VMEM((2, CH, D), jnp.float32),
            pltpu.SemaphoreType.DMA,
            pltpu.SemaphoreType.DMA,
            pltpu.SemaphoreType.DMA,
            pltpu.SemaphoreType.DMA,
        ],
    )
    def emb3(idx_hbm, t0, t1, t2, o0, o1, o2, o3, o4, o5, idx_v, rows_v,
             g0, g1, w0, w1):
        wid = lax.axis_index("s") * NC + lax.axis_index("c")
        base = wid * bpw
        row = wid // wpr
        col = (wid % wpr) * bpw
        pltpu.sync_copy(idx_hbm.at[row, pl.ds(col, bpw)], idx_v)
        gsem = (g0, g1)
        wsem = (w0, w1)
        units = [
            (tbl, outa, outb, off, ln)
            for k, (tbl, outa, outb) in enumerate(
                ((t0, o0, o3), (t1, o1, o4), (t2, o2, o5)))
            for off, ln in (first if k == 0 else rest)
        ]
        n = len(units)
        g = [None] * n
        w = [None] * n

        def fire_writes(u):
            tbl, outa, outb, off, ln = units[u]
            slot = u % 2
            src = rows_v.at[slot, pl.ds(0, ln)]
            dst = pl.ds(base + off, ln)
            return (
                pltpu.async_copy(src, outa.at[dst], wsem[slot]),
                pltpu.async_copy(src, outb.at[dst], wsem[slot]),
            )

        for u, (tbl, outa, outb, off, ln) in enumerate(units):
            slot = u % 2
            if u >= 2:
                w[u - 2][0].wait()
                w[u - 2][1].wait()
            g[u] = pltpu.async_copy(tbl.at[idx_v.at[pl.ds(off, ln)]],
                                    rows_v.at[slot, pl.ds(0, ln)], gsem[slot])
            if u >= 1:
                g[u - 1].wait()
                w[u - 1] = fire_writes(u - 1)
        g[n - 1].wait()
        w[n - 1] = fire_writes(n - 1)
        for d in w[n - 2]:
            d.wait()
        for d in w[n - 1]:
            d.wait()

    return emb3


def kernel(inputs, emb0, emb1, emb2):
    batch, seq = inputs.shape
    outs = _build(batch, seq)(inputs.astype(jnp.int32), emb0, emb1, emb2)
    return tuple(o.reshape(batch, seq, D) for o in outs)

# --- scband reference (transcript-rebuilt; emitter-appended) ---
"""Pipeline reference for scband-value-embedding-55207509622873 (READ-ONLY COPY).

The authoritative reference and input builder live on the scoring server;
editing this copy changes nothing except your own understanding.
"""

import jax, jax.numpy as jnp
import numpy as np

VOCAB = 50304
N_EMBED = 384
BATCH = 4
SEQ = 2048

def setup_inputs(seed: int = 0) -> dict:
    key = jax.random.key(seed)
    k_idx, k0, k1, k2 = jax.random.split(key, 4)
    inputs = jax.random.randint(k_idx, (BATCH, SEQ), 0, VOCAB, dtype=jnp.int64 if jax.config.read('jax_enable_x64') else jnp.int32)
    emb0 = jax.random.normal(k0, (VOCAB, N_EMBED), dtype=jnp.float32) * 0.02
    emb1 = jax.random.normal(k1, (VOCAB, N_EMBED), dtype=jnp.float32) * 0.02
    emb2 = jax.random.normal(k2, (VOCAB, N_EMBED), dtype=jnp.float32) * 0.02
    return {"inputs": inputs, "emb0": emb0, "emb1": emb1, "emb2": emb2}

def reference(inputs, emb0, emb1, emb2):
    # nn.Embedding lookup == row gather from table
    v0 = jnp.take(emb0, inputs, axis=0)
    v1 = jnp.take(emb1, inputs, axis=0)
    v2 = jnp.take(emb2, inputs, axis=0)
    # Original returns [v0, v1, v2, None*6, v0, v1, v2]; None entries are
    # placeholders (no tensors), so we return the 6 tensor outputs in order.
    return (v0, v1, v2, v0, v1, v2)

if __name__ == "__main__":
    import jax
    _d = setup_inputs()
    print(jax.jit(kernel)(*tuple(_d.values())))

</pallas_src>

<mosaic_0001>
#map = affine_map<(d0, d1) -> (0, 0)>
module attributes {stable_mosaic.version = 14 : i64} {
  func.func @emb3(%arg0: i32, %arg1: i32, %arg2: memref<4x2048xi32, #tpu.memory_space<hbm>>, %arg3: memref<50304x384xf32, #tpu.memory_space<hbm>>, %arg4: memref<50304x384xf32, #tpu.memory_space<hbm>>, %arg5: memref<50304x384xf32, #tpu.memory_space<hbm>>, %arg6: memref<8192x384xf32, #tpu.memory_space<hbm>>, %arg7: memref<8192x384xf32, #tpu.memory_space<hbm>>, %arg8: memref<8192x384xf32, #tpu.memory_space<hbm>>, %arg9: memref<8192x384xf32, #tpu.memory_space<hbm>>, %arg10: memref<8192x384xf32, #tpu.memory_space<hbm>>, %arg11: memref<8192x384xf32, #tpu.memory_space<hbm>>, %arg12: memref<256xi32, #tpu.memory_space<vmem>>, %arg13: memref<2x128x384xf32, #tpu.memory_space<vmem>>, %arg14: memref<!tpu.dma_semaphore, #tpu.memory_space<semaphore_mem>>, %arg15: memref<!tpu.dma_semaphore, #tpu.memory_space<semaphore_mem>>, %arg16: memref<!tpu.dma_semaphore, #tpu.memory_space<semaphore_mem>>, %arg17: memref<!tpu.dma_semaphore, #tpu.memory_space<semaphore_mem>>) attributes {dimension_semantics = [#tpu.dimension_semantics<core_parallel>, #tpu.dimension_semantics<subcore_parallel>], iteration_bounds = array<i64: 2, 16>, scalar_prefetch = 0 : i64, scratch_operands = 6 : i64, tpu.core_type = #tpu.core_type<sc_vector_subcore>, window_params = [{transform_indices = #map}, {transform_indices = #map}, {transform_indices = #map}, {transform_indices = #map}, {transform_indices = #map}, {transform_indices = #map}, {transform_indices = #map}, {transform_indices = #map}, {transform_indices = #map}, {transform_indices = #map}]} {
    %mul3A = arith.constant 2 : i32
    %mul3A_0 = arith.muli %arg1, %mul3A : i32
    %add3A = arith.addi %mul3A_0, %arg0 : i32
    %mul3A_1 = arith.constant 256 : i32
    %mul3A_2 = arith.muli %add3A, %mul3A_1 : i32
    %jit3A = arith.constant 8 : i32
    %div3A = arith.divsi %add3A, %jit3A : i32
    %sign3A = arith.constant 0 : i32
    %sign3A_3 = arith.cmpi sgt, %add3A, %sign3A : i32
    %sign3A_4 = arith.extui %sign3A_3 : i1 to i32
    %sign3A_5 = arith.constant 0 : i32
    %sign3A_6 = arith.cmpi slt, %add3A, %sign3A_5 : i32
    %sign3A_7 = arith.extui %sign3A_6 : i1 to i32
    %sign3A_8 = arith.subi %sign3A_4, %sign3A_7 : i32
    %sign3A_9 = arith.constant 0 : i32
    %sign3A_10 = arith.cmpi sgt, %jit3A, %sign3A_9 : i32
    %sign3A_11 = arith.extui %sign3A_10 : i1 to i32
    %sign3A_12 = arith.constant 0 : i32
    %sign3A_13 = arith.cmpi slt, %jit3A, %sign3A_12 : i32
    %sign3A_14 = arith.extui %sign3A_13 : i1 to i32
    %sign3A_15 = arith.subi %sign3A_11, %sign3A_14 : i32
    %ne3A = arith.cmpi ne, %sign3A_8, %sign3A_15 : i32
    %rem3A = arith.remsi %add3A, %jit3A : i32
    %ne3A_16 = arith.constant 0 : i32
    %ne3A_17 = arith.cmpi ne, %rem3A, %ne3A_16 : i32
    %and3A = arith.andi %ne3A, %ne3A_17 : i1
    %sub3A = arith.constant 1 : i32
    %sub3A_18 = arith.subi %div3A, %sub3A : i32
    %select_n3A = arith.select %and3A, %sub3A_18, %div3A : i32
    %jit3A_19 = arith.constant 8 : i32
    %eq3A = arith.constant 0 : i32
    %eq3A_20 = arith.cmpi eq, %jit3A_19, %eq3A : i32
    %jit3A_21 = arith.constant 1 : i32
    %select_n3A_22 = arith.select %eq3A_20, %jit3A_21, %jit3A_19 : i32
    %rem3A_23 = arith.remsi %add3A, %select_n3A_22 : i32
    %ne3A_24 = arith.constant 0 : i32
    %ne3A_25 = arith.cmpi ne, %rem3A_23, %ne3A_24 : i32
    %lt3A = arith.constant 0 : i32
    %lt3A_26 = arith.cmpi slt, %rem3A_23, %lt3A : i32
    %lt3A_27 = arith.constant 0 : i32
    %lt3A_28 = arith.cmpi slt, %select_n3A_22, %lt3A_27 : i32
    %ne3A_29 = arith.xori %lt3A_26, %lt3A_28 : i1
    %and3A_30 = arith.andi %ne3A_29, %ne3A_25 : i1
    %add3A_31 = arith.addi %rem3A_23, %select_n3A_22 : i32
    %select_n3A_32 = arith.select %and3A_30, %add3A_31, %rem3A_23 : i32
    %mul3A_33 = arith.constant 256 : i32
    %mul3A_34 = arith.muli %select_n3A_32, %mul3A_33 : i32
    "tpu.region"() ({
      %run_scoped3A = tpu.sem_alloc : memref<!tpu.dma_semaphore, #tpu.memory_space<semaphore_mem>>
      %dma_start3A_551 = tpu.memref_slice %arg2[%select_n3A, %mul3A_34] : memref<4x2048xi32, #tpu.memory_space<hbm>> -> memref<1x256xi32, #tpu.memory_space<hbm>>
      %dma_start3A_552 = tpu.memref_squeeze %dma_start3A_551 : memref<1x256xi32, #tpu.memory_space<hbm>> -> memref<256xi32, #tpu.memory_space<hbm>>
      %dma_start3A_553 = tpu.memref_slice %arg2[%select_n3A, %mul3A_34] : memref<4x2048xi32, #tpu.memory_space<hbm>> -> memref<1x256xi32, #tpu.memory_space<hbm>>
      %dma_start3A_554 = tpu.memref_squeeze %dma_start3A_553 : memref<1x256xi32, #tpu.memory_space<hbm>> -> memref<256xi32, #tpu.memory_space<hbm>>
      tpu.enqueue_dma source(%dma_start3A_554 : memref<256xi32, #tpu.memory_space<hbm>>) target(%arg12 : memref<256xi32, #tpu.memory_space<vmem>>) target_semaphore(%run_scoped3A : memref<!tpu.dma_semaphore, #tpu.memory_space<semaphore_mem>>)
      %dma_wait3A_555 = tpu.memref_slice %arg2[%select_n3A, %mul3A_34] : memref<4x2048xi32, #tpu.memory_space<hbm>> -> memref<1x256xi32, #tpu.memory_space<hbm>>
      %dma_wait3A_556 = tpu.memref_squeeze %dma_wait3A_555 : memref<1x256xi32, #tpu.memory_space<hbm>> -> memref<256xi32, #tpu.memory_space<hbm>>
      %dma_wait3A_557 = tpu.memref_slice %arg2[%select_n3A, %mul3A_34] : memref<4x2048xi32, #tpu.memory_space<hbm>> -> memref<1x256xi32, #tpu.memory_space<hbm>>
      %dma_wait3A_558 = tpu.memref_squeeze %dma_wait3A_557 : memref<1x256xi32, #tpu.memory_space<hbm>> -> memref<256xi32, #tpu.memory_space<hbm>>
      tpu.wait_dma2 semaphore(%run_scoped3A : memref<!tpu.dma_semaphore, #tpu.memory_space<semaphore_mem>>) src(%dma_wait3A_558 : memref<256xi32, #tpu.memory_space<hbm>>) dst(%arg12 : memref<256xi32, #tpu.memory_space<vmem>>)
      tpu.yield
    }) : () -> ()
    %dma_start3A = arith.constant 0 : i32
    %dma_start3A_35 = arith.constant 0 : i32
    %dma_start3A_36 = arith.constant 0 : i32
    %dma_start3A_37 = tpu.memref_slice %arg13[%dma_start3A, %dma_start3A_35, %dma_start3A_36] : memref<2x128x384xf32, #tpu.memory_space<vmem>> -> memref<1x32x384xf32, #tpu.memory_space<vmem>>
    %dma_start3A_38 = tpu.memref_squeeze %dma_start3A_37 : memref<1x32x384xf32, #tpu.memory_space<vmem>> -> memref<32x384xf32, #tpu.memory_space<vmem>>
    %dma_start3A_39 = arith.constant 0 : i32
    %dma_start3A_40 = tpu.memref_slice %arg12[%dma_start3A_39] : memref<256xi32, #tpu.memory_space<vmem>> -> memref<32xi32, #tpu.memory_space<vmem>>
    %dma_start3A_41 = arith.constant 0 : i32
    %dma_start3A_42 = arith.constant 0 : i32
    %dma_start3A_43 = tpu.memref_slice %arg3[%dma_start3A_41, %dma_start3A_42] : memref<50304x384xf32, #tpu.memory_space<hbm>> -> memref<50304x384xf32, #tpu.memory_space<hbm>>
    tpu.enqueue_indirect_dma source(%dma_start3A_43 : memref<50304x384xf32, #tpu.memory_space<hbm>>) target(%dma_start3A_38 : memref<32x384xf32, #tpu.memory_space<vmem>>) offsets(%dma_start3A_40 : memref<32xi32, #tpu.memory_space<vmem>>) semaphore(%arg14 : memref<!tpu.dma_semaphore, #tpu.memory_space<semaphore_mem>>)
    %dma_start3A_44 = arith.constant 1 : i32
    %dma_start3A_45 = arith.constant 0 : i32
    %dma_start3A_46 = arith.constant 0 : i32
    %dma_start3A_47 = tpu.memref_slice %arg13[%dma_start3A_44, %dma_start3A_45, %dma_start3A_46] : memref<2x128x384xf32, #tpu.memory_space<vmem>> -> memref<1x96x384xf32, #tpu.memory_space<vmem>>
    %dma_start3A_48 = tpu.memref_squeeze %dma_start3A_47 : memref<1x96x384xf32, #tpu.memory_space<vmem>> -> memref<96x384xf32, #tpu.memory_space<vmem>>
    %dma_start3A_49 = arith.constant 32 : i32
    %dma_start3A_50 = tpu.memref_slice %arg12[%dma_start3A_49] : memref<256xi32, #tpu.memory_space<vmem>> -> memref<96xi32, #tpu.memory_space<vmem>>
    %dma_start3A_51 = arith.constant 0 : i32
    %dma_start3A_52 = arith.constant 0 : i32
    %dma_start3A_53 = tpu.memref_slice %arg3[%dma_start3A_51, %dma_start3A_52] : memref<50304x384xf32, #tpu.memory_space<hbm>> -> memref<50304x384xf32, #tpu.memory_space<hbm>>
    tpu.enqueue_indirect_dma source(%dma_start3A_53 : memref<50304x384xf32, #tpu.memory_space<hbm>>) target(%dma_start3A_48 : memref<96x384xf32, #tpu.memory_space<vmem>>) offsets(%dma_start3A_50 : memref<96xi32, #tpu.memory_space<vmem>>) semaphore(%arg15 : memref<!tpu.dma_semaphore, #tpu.memory_space<semaphore_mem>>)
    %dma_wait3A = arith.constant 0 : i32
    %dma_wait3A_54 = arith.constant 0 : i32
    %dma_wait3A_55 = arith.constant 0 : i32
    %dma_wait3A_56 = tpu.memref_slice %arg13[%dma_wait3A, %dma_wait3A_54, %dma_wait3A_55] : memref<2x128x384xf32, #tpu.memory_space<vmem>> -> memref<1x32x384xf32, #tpu.memory_space<vmem>>
    %dma_wait3A_57 = tpu.memref_squeeze %dma_wait3A_56 : memref<1x32x384xf32, #tpu.memory_space<vmem>> -> memref<32x384xf32, #tpu.memory_space<vmem>>
    %dma_wait3A_58 = arith.constant 0 : i32
    %dma_wait3A_59 = tpu.memref_slice %arg12[%dma_wait3A_58] : memref<256xi32, #tpu.memory_space<vmem>> -> memref<32xi32, #tpu.memory_space<vmem>>
    %dma_wait3A_60 = arith.constant 0 : i32
    %dma_wait3A_61 = arith.constant 0 : i32
    %dma_wait3A_62 = tpu.memref_slice %arg3[%dma_wait3A_60, %dma_wait3A_61] : memref<50304x384xf32, #tpu.memory_space<hbm>> -> memref<50304x384xf32, #tpu.memory_space<hbm>>
    tpu.wait_indirect_dma semaphore(%arg14 : memref<!tpu.dma_semaphore, #tpu.memory_space<semaphore_mem>>) src(%dma_wait3A_62 : memref<50304x384xf32, #tpu.memory_space<hbm>>) dst(%dma_wait3A_57 : memref<32x384xf32, #tpu.memory_space<vmem>>)
    %add3A_63 = arith.constant 0 : i32
    %add3A_64 = arith.addi %mul3A_2, %add3A_63 : i32
    %dma_start3A_65 = arith.constant 0 : i32
    %dma_start3A_66 = arith.constant 0 : i32
    %dma_start3A_67 = arith.constant 0 : i32
    %dma_start3A_68 = tpu.memref_slice %arg13[%dma_start3A_65, %dma_start3A_66, %dma_start3A_67] : memref<2x128x384xf32, #tpu.memory_space<vmem>> -> memref<1x32x384xf32, #tpu.memory_space<vmem>>
    %dma_start3A_69 = tpu.memref_squeeze %dma_start3A_68 : memref<1x32x384xf32, #tpu.memory_space<vmem>> -> memref<32x384xf32, #tpu.memory_space<vmem>>
    %dma_start3A_70 = arith.constant 0 : i32
    %dma_start3A_71 = tpu.memref_slice %arg6[%add3A_64, %dma_start3A_70] : memref<8192x384xf32, #tpu.memory_space<hbm>> -> memref<32x384xf32, #tpu.memory_space<hbm>>
    %dma_start3A_72 = arith.constant 0 : i32
    %dma_start3A_73 = tpu.memref_slice %arg6[%add3A_64, %dma_start3A_72] : memref<8192x384xf32, #tpu.memory_space<hbm>> -> memref<32x384xf32, #tpu.memory_space<hbm>>
    %dma_start3A_74 = arith.constant 0 : i32
    %dma_start3A_75 = arith.constant 0 : i32
    %dma_start3A_76 = tpu.memref_slice %arg13[%dma_start3A_65, %dma_start3A_74, %dma_start3A_75] : memref<2x128x384xf32, #tpu.memory_space<vmem>> -> memref<1x32x384xf32, #tpu.memory_space<vmem>>
    %dma_start3A_77 = tpu.memref_squeeze %dma_start3A_76 : memref<1x32x384xf32, #tpu.memory_space<vmem>> -> memref<32x384xf32, #tpu.memory_space<vmem>>
    tpu.enqueue_dma source(%dma_start3A_77 : memref<32x384xf32, #tpu.memory_space<vmem>>) target(%dma_start3A_73 : memref<32x384xf32, #tpu.memory_space<hbm>>) target_semaphore(%arg16 : memref<!tpu.dma_semaphore, #tpu.memory_space<semaphore_mem>>)
    %dma_start3A_78 = arith.constant 0 : i32
    %dma_start3A_79 = arith.constant 0 : i32
    %dma_start3A_80 = arith.constant 0 : i32
    %dma_start3A_81 = tpu.memref_slice %arg13[%dma_start3A_78, %dma_start3A_79, %dma_start3A_80] : memref<2x128x384xf32, #tpu.memory_space<vmem>> -> memref<1x32x384xf32, #tpu.memory_space<vmem>>
    %dma_start3A_82 = tpu.memref_squeeze %dma_start3A_81 : memref<1x32x384xf32, #tpu.memory_space<vmem>> -> memref<32x384xf32, #tpu.memory_space<vmem>>
    %dma_start3A_83 = arith.constant 0 : i32
    %dma_start3A_84 = tpu.memref_slice %arg9[%add3A_64, %dma_start3A_83] : memref<8192x384xf32, #tpu.memory_space<hbm>> -> memref<32x384xf32, #tpu.memory_space<hbm>>
    %dma_start3A_85 = arith.constant 0 : i32
    %dma_start3A_86 = tpu.memref_slice %arg9[%add3A_64, %dma_start3A_85] : memref<8192x384xf32, #tpu.memory_space<hbm>> -> memref<32x384xf32, #tpu.memory_space<hbm>>
    %dma_start3A_87 = arith.constant 0 : i32
    %dma_start3A_88 = arith.constant 0 : i32
    %dma_start3A_89 = tpu.memref_slice %arg13[%dma_start3A_78, %dma_start3A_87, %dma_start3A_88] : memref<2x128x384xf32, #tpu.memory_space<vmem>> -> memref<1x32x384xf32, #tpu.memory_space<vmem>>
    %dma_start3A_90 = tpu.memref_squeeze %dma_start3A_89 : memref<1x32x384xf32, #tpu.memory_space<vmem>> -> memref<32x384xf32, #tpu.memory_space<vmem>>
    tpu.enqueue_dma source(%dma_start3A_90 : memref<32x384xf32, #tpu.memory_space<vmem>>) target(%dma_start3A_86 : memref<32x384xf32, #tpu.memory_space<hbm>>) target_semaphore(%arg16 : memref<!tpu.dma_semaphore, #tpu.memory_space<semaphore_mem>>)
    %dma_wait3A_91 = arith.constant 0 : i32
    %dma_wait3A_92 = arith.constant 0 : i32
    %dma_wait3A_93 = arith.constant 0 : i32
    %dma_wait3A_94 = tpu.memref_slice %arg13[%dma_wait3A_91, %dma_wait3A_92, %dma_wait3A_93] : memref<2x128x384xf32, #tpu.memory_space<vmem>> -> memref<1x32x384xf32, #tpu.memory_space<vmem>>
    %dma_wait3A_95 = tpu.memref_squeeze %dma_wait3A_94 : memref<1x32x384xf32, #tpu.memory_space<vmem>> -> memref<32x384xf32, #tpu.memory_space<vmem>>
    %dma_wait3A_96 = arith.constant 0 : i32
    %dma_wait3A_97 = tpu.memref_slice %arg6[%add3A_64, %dma_wait3A_96] : memref<8192x384xf32, #tpu.memory_space<hbm>> -> memref<32x384xf32, #tpu.memory_space<hbm>>
    %dma_wait3A_98 = arith.constant 0 : i32
    %dma_wait3A_99 = tpu.memref_slice %arg6[%add3A_64, %dma_wait3A_98] : memref<8192x384xf32, #tpu.memory_space<hbm>> -> memref<32x384xf32, #tpu.memory_space<hbm>>
    %dma_wait3A_100 = arith.constant 0 : i32
    %dma_wait3A_101 = arith.constant 0 : i32
    %dma_wait3A_102 = tpu.memref_slice %arg13[%dma_wait3A_91, %dma_wait3A_100, %dma_wait3A_101] : memref<2x128x384xf32, #tpu.memory_space<vmem>> -> memref<1x32x384xf32, #tpu.memory_space<vmem>>
    %dma_wait3A_103 = tpu.memref_squeeze %dma_wait3A_102 : memref<1x32x384xf32, #tpu.memory_space<vmem>> -> memref<32x384xf32, #tpu.memory_space<vmem>>
    tpu.wait_dma2 semaphore(%arg16 : memref<!tpu.dma_semaphore, #tpu.memory_space<semaphore_mem>>) src(%dma_wait3A_103 : memref<32x384xf32, #tpu.memory_space<vmem>>) dst(%dma_wait3A_99 : memref<32x384xf32, #tpu.memory_space<hbm>>)
    %dma_wait3A_104 = arith.constant 0 : i32
    %dma_wait3A_105 = arith.constant 0 : i32
    %dma_wait3A_106 = arith.constant 0 : i32
    %dma_wait3A_107 = tpu.memref_slice %arg13[%dma_wait3A_104, %dma_wait3A_105, %dma_wait3A_106] : memref<2x128x384xf32, #tpu.memory_space<vmem>> -> memref<1x32x384xf32, #tpu.memory_space<vmem>>
    %dma_wait3A_108 = tpu.memref_squeeze %dma_wait3A_107 : memref<1x32x384xf32, #tpu.memory_space<vmem>> -> memref<32x384xf32, #tpu.memory_space<vmem>>
    %dma_wait3A_109 = arith.constant 0 : i32
    %dma_wait3A_110 = tpu.memref_slice %arg9[%add3A_64, %dma_wait3A_109] : memref<8192x384xf32, #tpu.memory_space<hbm>> -> memref<32x384xf32, #tpu.memory_space<hbm>>
    %dma_wait3A_111 = arith.constant 0 : i32
    %dma_wait3A_112 = tpu.memref_slice %arg9[%add3A_64, %dma_wait3A_111] : memref<8192x384xf32, #tpu.memory_space<hbm>> -> memref<32x384xf32, #tpu.memory_space<hbm>>
    %dma_wait3A_113 = arith.constant 0 : i32
    %dma_wait3A_114 = arith.constant 0 : i32
    %dma_wait3A_115 = tpu.memref_slice %arg13[%dma_wait3A_104, %dma_wait3A_113, %dma_wait3A_114] : memref<2x128x384xf32, #tpu.memory_space<vmem>> -> memref<1x32x384xf32, #tpu.memory_space<vmem>>
    %dma_wait3A_116 = tpu.memref_squeeze %dma_wait3A_115 : memref<1x32x384xf32, #tpu.memory_space<vmem>> -> memref<32x384xf32, #tpu.memory_space<vmem>>
    tpu.wait_dma2 semaphore(%arg16 : memref<!tpu.dma_semaphore, #tpu.memory_space<semaphore_mem>>) src(%dma_wait3A_116 : memref<32x384xf32, #tpu.memory_space<vmem>>) dst(%dma_wait3A_112 : memref<32x384xf32, #tpu.memory_space<hbm>>)
    %dma_start3A_117 = arith.constant 0 : i32
    %dma_start3A_118 = arith.constant 0 : i32
    %dma_start3A_119 = arith.constant 0 : i32
    %dma_start3A_120 = tpu.memref_slice %arg13[%dma_start3A_117, %dma_start3A_118, %dma_start3A_119] : memref<2x128x384xf32, #tpu.memory_space<vmem>> -> memref<1x128x384xf32, #tpu.memory_space<vmem>>
    %dma_start3A_121 = tpu.memref_squeeze %dma_start3A_120 : memref<1x128x384xf32, #tpu.memory_space<vmem>> -> memref<128x384xf32, #tpu.memory_space<vmem>>
    %dma_start3A_122 = arith.constant 128 : i32
    %dma_start3A_123 = tpu.memref_slice %arg12[%dma_start3A_122] : memref<256xi32, #tpu.memory_space<vmem>> -> memref<128xi32, #tpu.memory_space<vmem>>
    %dma_start3A_124 = arith.constant 0 : i32
    %dma_start3A_125 = arith.constant 0 : i32
    %dma_start3A_126 = tpu.memref_slice %arg3[%dma_start3A_124, %dma_start3A_125] : memref<50304x384xf32, #tpu.memory_space<hbm>> -> memref<50304x384xf32, #tpu.memory_space<hbm>>
    tpu.enqueue_indirect_dma source(%dma_start3A_126 : memref<50304x384xf32, #tpu.memory_space<hbm>>) target(%dma_start3A_121 : memref<128x384xf32, #tpu.memory_space<vmem>>) offsets(%dma_start3A_123 : memref<128xi32, #tpu.memory_space<vmem>>) semaphore(%arg14 : memref<!tpu.dma_semaphore, #tpu.memory_space<semaphore_mem>>)
    %dma_wait3A_127 = arith.constant 1 : i32
    %dma_wait3A_128 = arith.constant 0 : i32
    %dma_wait3A_129 = arith.constant 0 : i32
    %dma_wait3A_130 = tpu.memref_slice %arg13[%dma_wait3A_127, %dma_wait3A_128, %dma_wait3A_129] : memref<2x128x384xf32, #tpu.memory_space<vmem>> -> memref<1x96x384xf32, #tpu.memory_space<vmem>>
    %dma_wait3A_131 = tpu.memref_squeeze %dma_wait3A_130 : memref<1x96x384xf32, #tpu.memory_space<vmem>> -> memref<96x384xf32, #tpu.memory_space<vmem>>
    %dma_wait3A_132 = arith.constant 32 : i32
    %dma_wait3A_133 = tpu.memref_slice %arg12[%dma_wait3A_132] : memref<256xi32, #tpu.memory_space<vmem>> -> memref<96xi32, #tpu.memory_space<vmem>>
    %dma_wait3A_134 = arith.constant 0 : i32
    %dma_wait3A_135 = arith.constant 0 : i32
    %dma_wait3A_136 = tpu.memref_slice %arg3[%dma_wait3A_134, %dma_wait3A_135] : memref<50304x384xf32, #tpu.memory_space<hbm>> -> memref<50304x384xf32, #tpu.memory_space<hbm>>
    tpu.wait_indirect_dma semaphore(%arg15 : memref<!tpu.dma_semaphore, #tpu.memory_space<semaphore_mem>>) src(%dma_wait3A_136 : memref<50304x384xf32, #tpu.memory_space<hbm>>) dst(%dma_wait3A_131 : memref<96x384xf32, #tpu.memory_space<vmem>>)
    %add3A_137 = arith.constant 32 : i32
    %add3A_138 = arith.addi %mul3A_2, %add3A_137 : i32
    %dma_start3A_139 = arith.constant 1 : i32
    %dma_start3A_140 = arith.constant 0 : i32
    %dma_start3A_141 = arith.constant 0 : i32
    %dma_start3A_142 = tpu.memref_slice %arg13[%dma_start3A_139, %dma_start3A_140, %dma_start3A_141] : memref<2x128x384xf32, #tpu.memory_space<vmem>> -> memref<1x96x384xf32, #tpu.memory_space<vmem>>
    %dma_start3A_143 = tpu.memref_squeeze %dma_start3A_142 : memref<1x96x384xf32, #tpu.memory_space<vmem>> -> memref<96x384xf32, #tpu.memory_space<vmem>>
    %dma_start3A_144 = arith.constant 0 : i32
    %dma_start3A_145 = tpu.memref_slice %arg6[%add3A_138, %dma_start3A_144] : memref<8192x384xf32, #tpu.memory_space<hbm>> -> memref<96x384xf32, #tpu.memory_space<hbm>>
    %dma_start3A_146 = arith.constant 0 : i32
    %dma_start3A_147 = tpu.memref_slice %arg6[%add3A_138, %dma_start3A_146] : memref<8192x384xf32, #tpu.memory_space<hbm>> -> memref<96x384xf32, #tpu.memory_space<hbm>>
    %dma_start3A_148 = arith.constant 0 : i32
    %dma_start3A_149 = arith.constant 0 : i32
    %dma_start3A_150 = tpu.memref_slice %arg13[%dma_start3A_139, %dma_start3A_148, %dma_start3A_149] : memref<2x128x384xf32, #tpu.memory_space<vmem>> -> memref<1x96x384xf32, #tpu.memory_space<vmem>>
    %dma_start3A_151 = tpu.memref_squeeze %dma_start3A_150 : memref<1x96x384xf32, #tpu.memory_space<vmem>> -> memref<96x384xf32, #tpu.memory_space<vmem>>
    tpu.enqueue_dma source(%dma_start3A_151 : memref<96x384xf32, #tpu.memory_space<vmem>>) target(%dma_start3A_147 : memref<96x384xf32, #tpu.memory_space<hbm>>) target_semaphore(%arg17 : memref<!tpu.dma_semaphore, #tpu.memory_space<semaphore_mem>>)
    %dma_start3A_152 = arith.constant 1 : i32
    %dma_start3A_153 = arith.constant 0 : i32
    %dma_start3A_154 = arith.constant 0 : i32
    %dma_start3A_155 = tpu.memref_slice %arg13[%dma_start3A_152, %dma_start3A_153, %dma_start3A_154] : memref<2x128x384xf32, #tpu.memory_space<vmem>> -> memref<1x96x384xf32, #tpu.memory_space<vmem>>
    %dma_start3A_156 = tpu.memref_squeeze %dma_start3A_155 : memref<1x96x384xf32, #tpu.memory_space<vmem>> -> memref<96x384xf32, #tpu.memory_space<vmem>>
    %dma_start3A_157 = arith.constant 0 : i32
    %dma_start3A_158 = tpu.memref_slice %arg9[%add3A_138, %dma_start3A_157] : memref<8192x384xf32, #tpu.memory_space<hbm>> -> memref<96x384xf32, #tpu.memory_space<hbm>>
    %dma_start3A_159 = arith.constant 0 : i32
    %dma_start3A_160 = tpu.memref_slice %arg9[%add3A_138, %dma_start3A_159] : memref<8192x384xf32, #tpu.memory_space<hbm>> -> memref<96x384xf32, #tpu.memory_space<hbm>>
    %dma_start3A_161 = arith.constant 0 : i32
    %dma_start3A_162 = arith.constant 0 : i32
    %dma_start3A_163 = tpu.memref_slice %arg13[%dma_start3A_152, %dma_start3A_161, %dma_start3A_162] : memref<2x128x384xf32, #tpu.memory_space<vmem>> -> memref<1x96x384xf32, #tpu.memory_space<vmem>>
    %dma_start3A_164 = tpu.memref_squeeze %dma_start3A_163 : memref<1x96x384xf32, #tpu.memory_space<vmem>> -> memref<96x384xf32, #tpu.memory_space<vmem>>
    tpu.enqueue_dma source(%dma_start3A_164 : memref<96x384xf32, #tpu.memory_space<vmem>>) target(%dma_start3A_160 : memref<96x384xf32, #tpu.memory_space<hbm>>) target_semaphore(%arg17 : memref<!tpu.dma_semaphore, #tpu.memory_space<semaphore_mem>>)
    %dma_wait3A_165 = arith.constant 1 : i32
    %dma_wait3A_166 = arith.constant 0 : i32
    %dma_wait3A_167 = arith.constant 0 : i32
    %dma_wait3A_168 = tpu.memref_slice %arg13[%dma_wait3A_165, %dma_wait3A_166, %dma_wait3A_167] : memref<2x128x384xf32, #tpu.memory_space<vmem>> -> memref<1x96x384xf32, #tpu.memory_space<vmem>>
    %dma_wait3A_169 = tpu.memref_squeeze %dma_wait3A_168 : memref<1x96x384xf32, #tpu.memory_space<vmem>> -> memref<96x384xf32, #tpu.memory_space<vmem>>
    %dma_wait3A_170 = arith.constant 0 : i32
    %dma_wait3A_171 = tpu.memref_slice %arg6[%add3A_138, %dma_wait3A_170] : memref<8192x384xf32, #tpu.memory_space<hbm>> -> memref<96x384xf32, #tpu.memory_space<hbm>>
    %dma_wait3A_172 = arith.constant 0 : i32
    %dma_wait3A_173 = tpu.memref_slice %arg6[%add3A_138, %dma_wait3A_172] : memref<8192x384xf32, #tpu.memory_space<hbm>> -> memref<96x384xf32, #tpu.memory_space<hbm>>
    %dma_wait3A_174 = arith.constant 0 : i32
    %dma_wait3A_175 = arith.constant 0 : i32
    %dma_wait3A_176 = tpu.memref_slice %arg13[%dma_wait3A_165, %dma_wait3A_174, %dma_wait3A_175] : memref<2x128x384xf32, #tpu.memory_space<vmem>> -> memref<1x96x384xf32, #tpu.memory_space<vmem>>
    %dma_wait3A_177 = tpu.memref_squeeze %dma_wait3A_176 : memref<1x96x384xf32, #tpu.memory_space<vmem>> -> memref<96x384xf32, #tpu.memory_space<vmem>>
    tpu.wait_dma2 semaphore(%arg17 : memref<!tpu.dma_semaphore, #tpu.memory_space<semaphore_mem>>) src(%dma_wait3A_177 : memref<96x384xf32, #tpu.memory_space<vmem>>) dst(%dma_wait3A_173 : memref<96x384xf32, #tpu.memory_space<hbm>>)
    %dma_wait3A_178 = arith.constant 1 : i32
    %dma_wait3A_179 = arith.constant 0 : i32
    %dma_wait3A_180 = arith.constant 0 : i32
    %dma_wait3A_181 = tpu.memref_slice %arg13[%dma_wait3A_178, %dma_wait3A_179, %dma_wait3A_180] : memref<2x128x384xf32, #tpu.memory_space<vmem>> -> memref<1x96x384xf32, #tpu.memory_space<vmem>>
    %dma_wait3A_182 = tpu.memref_squeeze %dma_wait3A_181 : memref<1x96x384xf32, #tpu.memory_space<vmem>> -> memref<96x384xf32, #tpu.memory_space<vmem>>
    %dma_wait3A_183 = arith.constant 0 : i32
    %dma_wait3A_184 = tpu.memref_slice %arg9[%add3A_138, %dma_wait3A_183] : memref<8192x384xf32, #tpu.memory_space<hbm>> -> memref<96x384xf32, #tpu.memory_space<hbm>>
    %dma_wait3A_185 = arith.constant 0 : i32
    %dma_wait3A_186 = tpu.memref_slice %arg9[%add3A_138, %dma_wait3A_185] : memref<8192x384xf32, #tpu.memory_space<hbm>> -> memref<96x384xf32, #tpu.memory_space<hbm>>
    %dma_wait3A_187 = arith.constant 0 : i32
    %dma_wait3A_188 = arith.constant 0 : i32
    %dma_wait3A_189 = tpu.memref_slice %arg13[%dma_wait3A_178, %dma_wait3A_187, %dma_wait3A_188] : memref<2x128x384xf32, #tpu.memory_space<vmem>> -> memref<1x96x384xf32, #tpu.memory_space<vmem>>
    %dma_wait3A_190 = tpu.memref_squeeze %dma_wait3A_189 : memref<1x96x384xf32, #tpu.memory_space<vmem>> -> memref<96x384xf32, #tpu.memory_space<vmem>>
    tpu.wait_dma2 semaphore(%arg17 : memref<!tpu.dma_semaphore, #tpu.memory_space<semaphore_mem>>) src(%dma_wait3A_190 : memref<96x384xf32, #tpu.memory_space<vmem>>) dst(%dma_wait3A_186 : memref<96x384xf32, #tpu.memory_space<hbm>>)
    %dma_start3A_191 = arith.constant 1 : i32
    %dma_start3A_192 = arith.constant 0 : i32
    %dma_start3A_193 = arith.constant 0 : i32
    %dma_start3A_194 = tpu.memref_slice %arg13[%dma_start3A_191, %dma_start3A_192, %dma_start3A_193] : memref<2x128x384xf32, #tpu.memory_space<vmem>> -> memref<1x128x384xf32, #tpu.memory_space<vmem>>
    %dma_start3A_195 = tpu.memref_squeeze %dma_start3A_194 : memref<1x128x384xf32, #tpu.memory_space<vmem>> -> memref<128x384xf32, #tpu.memory_space<vmem>>
    %dma_start3A_196 = arith.constant 0 : i32
    %dma_start3A_197 = tpu.memref_slice %arg12[%dma_start3A_196] : memref<256xi32, #tpu.memory_space<vmem>> -> memref<128xi32, #tpu.memory_space<vmem>>
    %dma_start3A_198 = arith.constant 0 : i32
    %dma_start3A_199 = arith.constant 0 : i32
    %dma_start3A_200 = tpu.memref_slice %arg4[%dma_start3A_198, %dma_start3A_199] : memref<50304x384xf32, #tpu.memory_space<hbm>> -> memref<50304x384xf32, #tpu.memory_space<hbm>>
    tpu.enqueue_indirect_dma source(%dma_start3A_200 : memref<50304x384xf32, #tpu.memory_space<hbm>>) target(%dma_start3A_195 : memref<128x384xf32, #tpu.memory_space<vmem>>) offsets(%dma_start3A_197 : memref<128xi32, #tpu.memory_space<vmem>>) semaphore(%arg15 : memref<!tpu.dma_semaphore, #tpu.memory_space<semaphore_mem>>)
    %dma_wait3A_201 = arith.constant 0 : i32
    %dma_wait3A_202 = arith.constant 0 : i32
    %dma_wait3A_203 = arith.constant 0 : i32
    %dma_wait3A_204 = tpu.memref_slice %arg13[%dma_wait3A_201, %dma_wait3A_202, %dma_wait3A_203] : memref<2x128x384xf32, #tpu.memory_space<vmem>> -> memref<1x128x384xf32, #tpu.memory_space<vmem>>
    %dma_wait3A_205 = tpu.memref_squeeze %dma_wait3A_204 : memref<1x128x384xf32, #tpu.memory_space<vmem>> -> memref<128x384xf32, #tpu.memory_space<vmem>>
    %dma_wait3A_206 = arith.constant 128 : i32
    %dma_wait3A_207 = tpu.memref_slice %arg12[%dma_wait3A_206] : memref<256xi32, #tpu.memory_space<vmem>> -> memref<128xi32, #tpu.memory_space<vmem>>
    %dma_wait3A_208 = arith.constant 0 : i32
    %dma_wait3A_209 = arith.constant 0 : i32
    %dma_wait3A_210 = tpu.memref_slice %arg3[%dma_wait3A_208, %dma_wait3A_209] : memref<50304x384xf32, #tpu.memory_space<hbm>> -> memref<50304x384xf32, #tpu.memory_space<hbm>>
    tpu.wait_indirect_dma semaphore(%arg14 : memref<!tpu.dma_semaphore, #tpu.memory_space<semaphore_mem>>) src(%dma_wait3A_210 : memref<50304x384xf32, #tpu.memory_space<hbm>>) dst(%dma_wait3A_205 : memref<128x384xf32, #tpu.memory_space<vmem>>)
    %add3A_211 = arith.constant 128 : i32
    %add3A_212 = arith.addi %mul3A_2, %add3A_211 : i32
    %dma_start3A_213 = arith.constant 0 : i32
    %dma_start3A_214 = arith.constant 0 : i32
    %dma_start3A_215 = arith.constant 0 : i32
    %dma_start3A_216 = tpu.memref_slice %arg13[%dma_start3A_213, %dma_start3A_214, %dma_start3A_215] : memref<2x128x384xf32, #tpu.memory_space<vmem>> -> memref<1x128x384xf32, #tpu.memory_space<vmem>>
    %dma_start3A_217 = tpu.memref_squeeze %dma_start3A_216 : memref<1x128x384xf32, #tpu.memory_space<vmem>> -> memref<128x384xf32, #tpu.memory_space<vmem>>
    %dma_start3A_218 = arith.constant 0 : i32
    %dma_start3A_219 = tpu.memref_slice %arg6[%add3A_212, %dma_start3A_218] : memref<8192x384xf32, #tpu.memory_space<hbm>> -> memref<128x384xf32, #tpu.memory_space<hbm>>
    %dma_start3A_220 = arith.constant 0 : i32
    %dma_start3A_221 = tpu.memref_slice %arg6[%add3A_212, %dma_start3A_220] : memref<8192x384xf32, #tpu.memory_space<hbm>> -> memref<128x384xf32, #tpu.memory_space<hbm>>
    %dma_start3A_222 = arith.constant 0 : i32
    %dma_start3A_223 = arith.constant 0 : i32
    %dma_start3A_224 = tpu.memref_slice %arg13[%dma_start3A_213, %dma_start3A_222, %dma_start3A_223] : memref<2x128x384xf32, #tpu.memory_space<vmem>> -> memref<1x128x384xf32, #tpu.memory_space<vmem>>
    %dma_start3A_225 = tpu.memref_squeeze %dma_start3A_224 : memref<1x128x384xf32, #tpu.memory_space<vmem>> -> memref<128x384xf32, #tpu.memory_space<vmem>>
    tpu.enqueue_dma source(%dma_start3A_225 : memref<128x384xf32, #tpu.memory_space<vmem>>) target(%dma_start3A_221 : memref<128x384xf32, #tpu.memory_space<hbm>>) target_semaphore(%arg16 : memref<!tpu.dma_semaphore, #tpu.memory_space<semaphore_mem>>)
    %dma_start3A_226 = arith.constant 0 : i32
    %dma_start3A_227 = arith.constant 0 : i32
    %dma_start3A_228 = arith.constant 0 : i32
    %dma_start3A_229 = tpu.memref_slice %arg13[%dma_start3A_226, %dma_start3A_227, %dma_start3A_228] : memref<2x128x384xf32, #tpu.memory_space<vmem>> -> memref<1x128x384xf32, #tpu.memory_space<vmem>>
    %dma_start3A_230 = tpu.memref_squeeze %dma_start3A_229 : memref<1x128x384xf32, #tpu.memory_space<vmem>> -> memref<128x384xf32, #tpu.memory_space<vmem>>
    %dma_start3A_231 = arith.constant 0 : i32
    %dma_start3A_232 = tpu.memref_slice %arg9[%add3A_212, %dma_start3A_231] : memref<8192x384xf32, #tpu.memory_space<hbm>> -> memref<128x384xf32, #tpu.memory_space<hbm>>
    %dma_start3A_233 = arith.constant 0 : i32
    %dma_start3A_234 = tpu.memref_slice %arg9[%add3A_212, %dma_start3A_233] : memref<8192x384xf32, #tpu.memory_space<hbm>> -> memref<128x384xf32, #tpu.memory_space<hbm>>
    %dma_start3A_235 = arith.constant 0 : i32
    %dma_start3A_236 = arith.constant 0 : i32
    %dma_start3A_237 = tpu.memref_slice %arg13[%dma_start3A_226, %dma_start3A_235, %dma_start3A_236] : memref<2x128x384xf32, #tpu.memory_space<vmem>> -> memref<1x128x384xf32, #tpu.memory_space<vmem>>
    %dma_start3A_238 = tpu.memref_squeeze %dma_start3A_237 : memref<1x128x384xf32, #tpu.memory_space<vmem>> -> memref<128x384xf32, #tpu.memory_space<vmem>>
    tpu.enqueue_dma source(%dma_start3A_238 : memref<128x384xf32, #tpu.memory_space<vmem>>) target(%dma_start3A_234 : memref<128x384xf32, #tpu.memory_space<hbm>>) target_semaphore(%arg16 : memref<!tpu.dma_semaphore, #tpu.memory_space<semaphore_mem>>)
    %dma_wait3A_239 = arith.constant 0 : i32
    %dma_wait3A_240 = arith.constant 0 : i32
    %dma_wait3A_241 = arith.constant 0 : i32
    %dma_wait3A_242 = tpu.memref_slice %arg13[%dma_wait3A_239, %dma_wait3A_240, %dma_wait3A_241] : memref<2x128x384xf32, #tpu.memory_space<vmem>> -> memref<1x128x384xf32, #tpu.memory_space<vmem>>
    %dma_wait3A_243 = tpu.memref_squeeze %dma_wait3A_242 : memref<1x128x384xf32, #tpu.memory_space<vmem>> -> memref<128x384xf32, #tpu.memory_space<vmem>>
    %dma_wait3A_244 = arith.constant 0 : i32
    %dma_wait3A_245 = tpu.memref_slice %arg6[%add3A_212, %dma_wait3A_244] : memref<8192x384xf32, #tpu.memory_space<hbm>> -> memref<128x384xf32, #tpu.memory_space<hbm>>
    %dma_wait3A_246 = arith.constant 0 : i32
    %dma_wait3A_247 = tpu.memref_slice %arg6[%add3A_212, %dma_wait3A_246] : memref<8192x384xf32, #tpu.memory_space<hbm>> -> memref<128x384xf32, #tpu.memory_space<hbm>>
    %dma_wait3A_248 = arith.constant 0 : i32
    %dma_wait3A_249 = arith.constant 0 : i32
    %dma_wait3A_250 = tpu.memref_slice %arg13[%dma_wait3A_239, %dma_wait3A_248, %dma_wait3A_249] : memref<2x128x384xf32, #tpu.memory_space<vmem>> -> memref<1x128x384xf32, #tpu.memory_space<vmem>>
    %dma_wait3A_251 = tpu.memref_squeeze %dma_wait3A_250 : memref<1x128x384xf32, #tpu.memory_space<vmem>> -> memref<128x384xf32, #tpu.memory_space<vmem>>
    tpu.wait_dma2 semaphore(%arg16 : memref<!tpu.dma_semaphore, #tpu.memory_space<semaphore_mem>>) src(%dma_wait3A_251 : memref<128x384xf32, #tpu.memory_space<vmem>>) dst(%dma_wait3A_247 : memref<128x384xf32, #tpu.memory_space<hbm>>)
    %dma_wait3A_252 = arith.constant 0 : i32
    %dma_wait3A_253 = arith.constant 0 : i32
    %dma_wait3A_254 = arith.constant 0 : i32
    %dma_wait3A_255 = tpu.memref_slice %arg13[%dma_wait3A_252, %dma_wait3A_253, %dma_wait3A_254] : memref<2x128x384xf32, #tpu.memory_space<vmem>> -> memref<1x128x384xf32, #tpu.memory_space<vmem>>
    %dma_wait3A_256 = tpu.memref_squeeze %dma_wait3A_255 : memref<1x128x384xf32, #tpu.memory_space<vmem>> -> memref<128x384xf32, #tpu.memory_space<vmem>>
    %dma_wait3A_257 = arith.constant 0 : i32
    %dma_wait3A_258 = tpu.memref_slice %arg9[%add3A_212, %dma_wait3A_257] : memref<8192x384xf32, #tpu.memory_space<hbm>> -> memref<128x384xf32, #tpu.memory_space<hbm>>
    %dma_wait3A_259 = arith.constant 0 : i32
    %dma_wait3A_260 = tpu.memref_slice %arg9[%add3A_212, %dma_wait3A_259] : memref<8192x384xf32, #tpu.memory_space<hbm>> -> memref<128x384xf32, #tpu.memory_space<hbm>>
    %dma_wait3A_261 = arith.constant 0 : i32
    %dma_wait3A_262 = arith.constant 0 : i32
    %dma_wait3A_263 = tpu.memref_slice %arg13[%dma_wait3A_252, %dma_wait3A_261, %dma_wait3A_262] : memref<2x128x384xf32, #tpu.memory_space<vmem>> -> memref<1x128x384xf32, #tpu.memory_space<vmem>>
    %dma_wait3A_264 = tpu.memref_squeeze %dma_wait3A_263 : memref<1x128x384xf32, #tpu.memory_space<vmem>> -> memref<128x384xf32, #tpu.memory_space<vmem>>
    tpu.wait_dma2 semaphore(%arg16 : memref<!tpu.dma_semaphore, #tpu.memory_space<semaphore_mem>>) src(%dma_wait3A_264 : memref<128x384xf32, #tpu.memory_space<vmem>>) dst(%dma_wait3A_260 : memref<128x384xf32, #tpu.memory_space<hbm>>)
    %dma_start3A_265 = arith.constant 0 : i32
    %dma_start3A_266 = arith.constant 0 : i32
    %dma_start3A_267 = arith.constant 0 : i32
    %dma_start3A_268 = tpu.memref_slice %arg13[%dma_start3A_265, %dma_start3A_266, %dma_start3A_267] : memref<2x128x384xf32, #tpu.memory_space<vmem>> -> memref<1x128x384xf32, #tpu.memory_space<vmem>>
    %dma_start3A_269 = tpu.memref_squeeze %dma_start3A_268 : memref<1x128x384xf32, #tpu.memory_space<vmem>> -> memref<128x384xf32, #tpu.memory_space<vmem>>
    %dma_start3A_270 = arith.constant 128 : i32
    %dma_start3A_271 = tpu.memref_slice %arg12[%dma_start3A_270] : memref<256xi32, #tpu.memory_space<vmem>> -> memref<128xi32, #tpu.memory_space<vmem>>
    %dma_start3A_272 = arith.constant 0 : i32
    %dma_start3A_273 = arith.constant 0 : i32
    %dma_start3A_274 = tpu.memref_slice %arg4[%dma_start3A_272, %dma_start3A_273] : memref<50304x384xf32, #tpu.memory_space<hbm>> -> memref<50304x384xf32, #tpu.memory_space<hbm>>
    tpu.enqueue_indirect_dma source(%dma_start3A_274 : memref<50304x384xf32, #tpu.memory_space<hbm>>) target(%dma_start3A_269 : memref<128x384xf32, #tpu.memory_space<vmem>>) offsets(%dma_start3A_271 : memref<128xi32, #tpu.memory_space<vmem>>) semaphore(%arg14 : memref<!tpu.dma_semaphore, #tpu.memory_space<semaphore_mem>>)
    %dma_wait3A_275 = arith.constant 1 : i32
    %dma_wait3A_276 = arith.constant 0 : i32
    %dma_wait3A_277 = arith.constant 0 : i32
    %dma_wait3A_278 = tpu.memref_slice %arg13[%dma_wait3A_275, %dma_wait3A_276, %dma_wait3A_277] : memref<2x128x384xf32, #tpu.memory_space<vmem>> -> memref<1x128x384xf32, #tpu.memory_space<vmem>>
    %dma_wait3A_279 = tpu.memref_squeeze %dma_wait3A_278 : memref<1x128x384xf32, #tpu.memory_space<vmem>> -> memref<128x384xf32, #tpu.memory_space<vmem>>
    %dma_wait3A_280 = arith.constant 0 : i32
    %dma_wait3A_281 = tpu.memref_slice %arg12[%dma_wait3A_280] : memref<256xi32, #tpu.memory_space<vmem>> -> memref<128xi32, #tpu.memory_space<vmem>>
    %dma_wait3A_282 = arith.constant 0 : i32
    %dma_wait3A_283 = arith.constant 0 : i32
    %dma_wait3A_284 = tpu.memref_slice %arg4[%dma_wait3A_282, %dma_wait3A_283] : memref<50304x384xf32, #tpu.memory_space<hbm>> -> memref<50304x384xf32, #tpu.memory_space<hbm>>
    tpu.wait_indirect_dma semaphore(%arg15 : memref<!tpu.dma_semaphore, #tpu.memory_space<semaphore_mem>>) src(%dma_wait3A_284 : memref<50304x384xf32, #tpu.memory_space<hbm>>) dst(%dma_wait3A_279 : memref<128x384xf32, #tpu.memory_space<vmem>>)
    %add3A_285 = arith.constant 0 : i32
    %add3A_286 = arith.addi %mul3A_2, %add3A_285 : i32
    %dma_start3A_287 = arith.constant 1 : i32
    %dma_start3A_288 = arith.constant 0 : i32
    %dma_start3A_289 = arith.constant 0 : i32
    %dma_start3A_290 = tpu.memref_slice %arg13[%dma_start3A_287, %dma_start3A_288, %dma_start3A_289] : memref<2x128x384xf32, #tpu.memory_space<vmem>> -> memref<1x128x384xf32, #tpu.memory_space<vmem>>
    %dma_start3A_291 = tpu.memref_squeeze %dma_start3A_290 : memref<1x128x384xf32, #tpu.memory_space<vmem>> -> memref<128x384xf32, #tpu.memory_space<vmem>>
    %dma_start3A_292 = arith.constant 0 : i32
    %dma_start3A_293 = tpu.memref_slice %arg7[%add3A_286, %dma_start3A_292] : memref<8192x384xf32, #tpu.memory_space<hbm>> -> memref<128x384xf32, #tpu.memory_space<hbm>>
    %dma_start3A_294 = arith.constant 0 : i32
    %dma_start3A_295 = tpu.memref_slice %arg7[%add3A_286, %dma_start3A_294] : memref<8192x384xf32, #tpu.memory_space<hbm>> -> memref<128x384xf32, #tpu.memory_space<hbm>>
    %dma_start3A_296 = arith.constant 0 : i32
    %dma_start3A_297 = arith.constant 0 : i32
    %dma_start3A_298 = tpu.memref_slice %arg13[%dma_start3A_287, %dma_start3A_296, %dma_start3A_297] : memref<2x128x384xf32, #tpu.memory_space<vmem>> -> memref<1x128x384xf32, #tpu.memory_space<vmem>>
    %dma_start3A_299 = tpu.memref_squeeze %dma_start3A_298 : memref<1x128x384xf32, #tpu.memory_space<vmem>> -> memref<128x384xf32, #tpu.memory_space<vmem>>
    tpu.enqueue_dma source(%dma_start3A_299 : memref<128x384xf32, #tpu.memory_space<vmem>>) target(%dma_start3A_295 : memref<128x384xf32, #tpu.memory_space<hbm>>) target_semaphore(%arg17 : memref<!tpu.dma_semaphore, #tpu.memory_space<semaphore_mem>>)
    %dma_start3A_300 = arith.constant 1 : i32
    %dma_start3A_301 = arith.constant 0 : i32
    %dma_start3A_302 = arith.constant 0 : i32
    %dma_start3A_303 = tpu.memref_slice %arg13[%dma_start3A_300, %dma_start3A_301, %dma_start3A_302] : memref<2x128x384xf32, #tpu.memory_space<vmem>> -> memref<1x128x384xf32, #tpu.memory_space<vmem>>
    %dma_start3A_304 = tpu.memref_squeeze %dma_start3A_303 : memref<1x128x384xf32, #tpu.memory_space<vmem>> -> memref<128x384xf32, #tpu.memory_space<vmem>>
    %dma_start3A_305 = arith.constant 0 : i32
    %dma_start3A_306 = tpu.memref_slice %arg10[%add3A_286, %dma_start3A_305] : memref<8192x384xf32, #tpu.memory_space<hbm>> -> memref<128x384xf32, #tpu.memory_space<hbm>>
    %dma_start3A_307 = arith.constant 0 : i32
    %dma_start3A_308 = tpu.memref_slice %arg10[%add3A_286, %dma_start3A_307] : memref<8192x384xf32, #tpu.memory_space<hbm>> -> memref<128x384xf32, #tpu.memory_space<hbm>>
    %dma_start3A_309 = arith.constant 0 : i32
    %dma_start3A_310 = arith.constant 0 : i32
    %dma_start3A_311 = tpu.memref_slice %arg13[%dma_start3A_300, %dma_start3A_309, %dma_start3A_310] : memref<2x128x384xf32, #tpu.memory_space<vmem>> -> memref<1x128x384xf32, #tpu.memory_space<vmem>>
    %dma_start3A_312 = tpu.memref_squeeze %dma_start3A_311 : memref<1x128x384xf32, #tpu.memory_space<vmem>> -> memref<128x384xf32, #tpu.memory_space<vmem>>
    tpu.enqueue_dma source(%dma_start3A_312 : memref<128x384xf32, #tpu.memory_space<vmem>>) target(%dma_start3A_308 : memref<128x384xf32, #tpu.memory_space<hbm>>) target_semaphore(%arg17 : memref<!tpu.dma_semaphore, #tpu.memory_space<semaphore_mem>>)
    %dma_wait3A_313 = arith.constant 1 : i32
    %dma_wait3A_314 = arith.constant 0 : i32
    %dma_wait3A_315 = arith.constant 0 : i32
    %dma_wait3A_316 = tpu.memref_slice %arg13[%dma_wait3A_313, %dma_wait3A_314, %dma_wait3A_315] : memref<2x128x384xf32, #tpu.memory_space<vmem>> -> memref<1x128x384xf32, #tpu.memory_space<vmem>>
    %dma_wait3A_317 = tpu.memref_squeeze %dma_wait3A_316 : memref<1x128x384xf32, #tpu.memory_space<vmem>> -> memref<128x384xf32, #tpu.memory_space<vmem>>
    %dma_wait3A_318 = arith.constant 0 : i32
    %dma_wait3A_319 = tpu.memref_slice %arg7[%add3A_286, %dma_wait3A_318] : memref<8192x384xf32, #tpu.memory_space<hbm>> -> memref<128x384xf32, #tpu.memory_space<hbm>>
    %dma_wait3A_320 = arith.constant 0 : i32
    %dma_wait3A_321 = tpu.memref_slice %arg7[%add3A_286, %dma_wait3A_320] : memref<8192x384xf32, #tpu.memory_space<hbm>> -> memref<128x384xf32, #tpu.memory_space<hbm>>
    %dma_wait3A_322 = arith.constant 0 : i32
    %dma_wait3A_323 = arith.constant 0 : i32
    %dma_wait3A_324 = tpu.memref_slice %arg13[%dma_wait3A_313, %dma_wait3A_322, %dma_wait3A_323] : memref<2x128x384xf32, #tpu.memory_space<vmem>> -> memref<1x128x384xf32, #tpu.memory_space<vmem>>
    %dma_wait3A_325 = tpu.memref_squeeze %dma_wait3A_324 : memref<1x128x384xf32, #tpu.memory_space<vmem>> -> memref<128x384xf32, #tpu.memory_space<vmem>>
    tpu.wait_dma2 semaphore(%arg17 : memref<!tpu.dma_semaphore, #tpu.memory_space<semaphore_mem>>) src(%dma_wait3A_325 : memref<128x384xf32, #tpu.memory_space<vmem>>) dst(%dma_wait3A_321 : memref<128x384xf32, #tpu.memory_space<hbm>>)
    %dma_wait3A_326 = arith.constant 1 : i32
    %dma_wait3A_327 = arith.constant 0 : i32
    %dma_wait3A_328 = arith.constant 0 : i32
    %dma_wait3A_329 = tpu.memref_slice %arg13[%dma_wait3A_326, %dma_wait3A_327, %dma_wait3A_328] : memref<2x128x384xf32, #tpu.memory_space<vmem>> -> memref<1x128x384xf32, #tpu.memory_space<vmem>>
    %dma_wait3A_330 = tpu.memref_squeeze %dma_wait3A_329 : memref<1x128x384xf32, #tpu.memory_space<vmem>> -> memref<128x384xf32, #tpu.memory_space<vmem>>
    %dma_wait3A_331 = arith.constant 0 : i32
    %dma_wait3A_332 = tpu.memref_slice %arg10[%add3A_286, %dma_wait3A_331] : memref<8192x384xf32, #tpu.memory_space<hbm>> -> memref<128x384xf32, #tpu.memory_space<hbm>>
    %dma_wait3A_333 = arith.constant 0 : i32
    %dma_wait3A_334 = tpu.memref_slice %arg10[%add3A_286, %dma_wait3A_333] : memref<8192x384xf32, #tpu.memory_space<hbm>> -> memref<128x384xf32, #tpu.memory_space<hbm>>
    %dma_wait3A_335 = arith.constant 0 : i32
    %dma_wait3A_336 = arith.constant 0 : i32
    %dma_wait3A_337 = tpu.memref_slice %arg13[%dma_wait3A_326, %dma_wait3A_335, %dma_wait3A_336] : memref<2x128x384xf32, #tpu.memory_space<vmem>> -> memref<1x128x384xf32, #tpu.memory_space<vmem>>
    %dma_wait3A_338 = tpu.memref_squeeze %dma_wait3A_337 : memref<1x128x384xf32, #tpu.memory_space<vmem>> -> memref<128x384xf32, #tpu.memory_space<vmem>>
    tpu.wait_dma2 semaphore(%arg17 : memref<!tpu.dma_semaphore, #tpu.memory_space<semaphore_mem>>) src(%dma_wait3A_338 : memref<128x384xf32, #tpu.memory_space<vmem>>) dst(%dma_wait3A_334 : memref<128x384xf32, #tpu.memory_space<hbm>>)
    %dma_start3A_339 = arith.constant 1 : i32
    %dma_start3A_340 = arith.constant 0 : i32
    %dma_start3A_341 = arith.constant 0 : i32
    %dma_start3A_342 = tpu.memref_slice %arg13[%dma_start3A_339, %dma_start3A_340, %dma_start3A_341] : memref<2x128x384xf32, #tpu.memory_space<vmem>> -> memref<1x128x384xf32, #tpu.memory_space<vmem>>
    %dma_start3A_343 = tpu.memref_squeeze %dma_start3A_342 : memref<1x128x384xf32, #tpu.memory_space<vmem>> -> memref<128x384xf32, #tpu.memory_space<vmem>>
    %dma_start3A_344 = arith.constant 0 : i32
    %dma_start3A_345 = tpu.memref_slice %arg12[%dma_start3A_344] : memref<256xi32, #tpu.memory_space<vmem>> -> memref<128xi32, #tpu.memory_space<vmem>>
    %dma_start3A_346 = arith.constant 0 : i32
    %dma_start3A_347 = arith.constant 0 : i32
    %dma_start3A_348 = tpu.memref_slice %arg5[%dma_start3A_346, %dma_start3A_347] : memref<50304x384xf32, #tpu.memory_space<hbm>> -> memref<50304x384xf32, #tpu.memory_space<hbm>>
    tpu.enqueue_indirect_dma source(%dma_start3A_348 : memref<50304x384xf32, #tpu.memory_space<hbm>>) target(%dma_start3A_343 : memref<128x384xf32, #tpu.memory_space<vmem>>) offsets(%dma_start3A_345 : memref<128xi32, #tpu.memory_space<vmem>>) semaphore(%arg15 : memref<!tpu.dma_semaphore, #tpu.memory_space<semaphore_mem>>)
    %dma_wait3A_349 = arith.constant 0 : i32
    %dma_wait3A_350 = arith.constant 0 : i32
    %dma_wait3A_351 = arith.constant 0 : i32
    %dma_wait3A_352 = tpu.memref_slice %arg13[%dma_wait3A_349, %dma_wait3A_350, %dma_wait3A_351] : memref<2x128x384xf32, #tpu.memory_space<vmem>> -> memref<1x128x384xf32, #tpu.memory_space<vmem>>
    %dma_wait3A_353 = tpu.memref_squeeze %dma_wait3A_352 : memref<1x128x384xf32, #tpu.memory_space<vmem>> -> memref<128x384xf32, #tpu.memory_space<vmem>>
    %dma_wait3A_354 = arith.constant 128 : i32
    %dma_wait3A_355 = tpu.memref_slice %arg12[%dma_wait3A_354] : memref<256xi32, #tpu.memory_space<vmem>> -> memref<128xi32, #tpu.memory_space<vmem>>
    %dma_wait3A_356 = arith.constant 0 : i32
    %dma_wait3A_357 = arith.constant 0 : i32
    %dma_wait3A_358 = tpu.memref_slice %arg4[%dma_wait3A_356, %dma_wait3A_357] : memref<50304x384xf32, #tpu.memory_space<hbm>> -> memref<50304x384xf32, #tpu.memory_space<hbm>>
    tpu.wait_indirect_dma semaphore(%arg14 : memref<!tpu.dma_semaphore, #tpu.memory_space<semaphore_mem>>) src(%dma_wait3A_358 : memref<50304x384xf32, #tpu.memory_space<hbm>>) dst(%dma_wait3A_353 : memref<128x384xf32, #tpu.memory_space<vmem>>)
    %add3A_359 = arith.constant 128 : i32
    %add3A_360 = arith.addi %mul3A_2, %add3A_359 : i32
    %dma_start3A_361 = arith.constant 0 : i32
    %dma_start3A_362 = arith.constant 0 : i32
    %dma_start3A_363 = arith.constant 0 : i32
    %dma_start3A_364 = tpu.memref_slice %arg13[%dma_start3A_361, %dma_start3A_362, %dma_start3A_363] : memref<2x128x384xf32, #tpu.memory_space<vmem>> -> memref<1x128x384xf32, #tpu.memory_space<vmem>>
    %dma_start3A_365 = tpu.memref_squeeze %dma_start3A_364 : memref<1x128x384xf32, #tpu.memory_space<vmem>> -> memref<128x384xf32, #tpu.memory_space<vmem>>
    %dma_start3A_366 = arith.constant 0 : i32
    %dma_start3A_367 = tpu.memref_slice %arg7[%add3A_360, %dma_start3A_366] : memref<8192x384xf32, #tpu.memory_space<hbm>> -> memref<128x384xf32, #tpu.memory_space<hbm>>
    %dma_start3A_368 = arith.constant 0 : i32
    %dma_start3A_369 = tpu.memref_slice %arg7[%add3A_360, %dma_start3A_368] : memref<8192x384xf32, #tpu.memory_space<hbm>> -> memref<128x384xf32, #tpu.memory_space<hbm>>
    %dma_start3A_370 = arith.constant 0 : i32
    %dma_start3A_371 = arith.constant 0 : i32
    %dma_start3A_372 = tpu.memref_slice %arg13[%dma_start3A_361, %dma_start3A_370, %dma_start3A_371] : memref<2x128x384xf32, #tpu.memory_space<vmem>> -> memref<1x128x384xf32, #tpu.memory_space<vmem>>
    %dma_start3A_373 = tpu.memref_squeeze %dma_start3A_372 : memref<1x128x384xf32, #tpu.memory_space<vmem>> -> memref<128x384xf32, #tpu.memory_space<vmem>>
    tpu.enqueue_dma source(%dma_start3A_373 : memref<128x384xf32, #tpu.memory_space<vmem>>) target(%dma_start3A_369 : memref<128x384xf32, #tpu.memory_space<hbm>>) target_semaphore(%arg16 : memref<!tpu.dma_semaphore, #tpu.memory_space<semaphore_mem>>)
    %dma_start3A_374 = arith.constant 0 : i32
    %dma_start3A_375 = arith.constant 0 : i32
    %dma_start3A_376 = arith.constant 0 : i32
    %dma_start3A_377 = tpu.memref_slice %arg13[%dma_start3A_374, %dma_start3A_375, %dma_start3A_376] : memref<2x128x384xf32, #tpu.memory_space<vmem>> -> memref<1x128x384xf32, #tpu.memory_space<vmem>>
    %dma_start3A_378 = tpu.memref_squeeze %dma_start3A_377 : memref<1x128x384xf32, #tpu.memory_space<vmem>> -> memref<128x384xf32, #tpu.memory_space<vmem>>
    %dma_start3A_379 = arith.constant 0 : i32
    %dma_start3A_380 = tpu.memref_slice %arg10[%add3A_360, %dma_start3A_379] : memref<8192x384xf32, #tpu.memory_space<hbm>> -> memref<128x384xf32, #tpu.memory_space<hbm>>
    %dma_start3A_381 = arith.constant 0 : i32
    %dma_start3A_382 = tpu.memref_slice %arg10[%add3A_360, %dma_start3A_381] : memref<8192x384xf32, #tpu.memory_space<hbm>> -> memref<128x384xf32, #tpu.memory_space<hbm>>
    %dma_start3A_383 = arith.constant 0 : i32
    %dma_start3A_384 = arith.constant 0 : i32
    %dma_start3A_385 = tpu.memref_slice %arg13[%dma_start3A_374, %dma_start3A_383, %dma_start3A_384] : memref<2x128x384xf32, #tpu.memory_space<vmem>> -> memref<1x128x384xf32, #tpu.memory_space<vmem>>
    %dma_start3A_386 = tpu.memref_squeeze %dma_start3A_385 : memref<1x128x384xf32, #tpu.memory_space<vmem>> -> memref<128x384xf32, #tpu.memory_space<vmem>>
    tpu.enqueue_dma source(%dma_start3A_386 : memref<128x384xf32, #tpu.memory_space<vmem>>) target(%dma_start3A_382 : memref<128x384xf32, #tpu.memory_space<hbm>>) target_semaphore(%arg16 : memref<!tpu.dma_semaphore, #tpu.memory_space<semaphore_mem>>)
    %dma_wait3A_387 = arith.constant 0 : i32
    %dma_wait3A_388 = arith.constant 0 : i32
    %dma_wait3A_389 = arith.constant 0 : i32
    %dma_wait3A_390 = tpu.memref_slice %arg13[%dma_wait3A_387, %dma_wait3A_388, %dma_wait3A_389] : memref<2x128x384xf32, #tpu.memory_space<vmem>> -> memref<1x128x384xf32, #tpu.memory_space<vmem>>
    %dma_wait3A_391 = tpu.memref_squeeze %dma_wait3A_390 : memref<1x128x384xf32, #tpu.memory_space<vmem>> -> memref<128x384xf32, #tpu.memory_space<vmem>>
    %dma_wait3A_392 = arith.constant 0 : i32
    %dma_wait3A_393 = tpu.memref_slice %arg7[%add3A_360, %dma_wait3A_392] : memref<8192x384xf32, #tpu.memory_space<hbm>> -> memref<128x384xf32, #tpu.memory_space<hbm>>
    %dma_wait3A_394 = arith.constant 0 : i32
    %dma_wait3A_395 = tpu.memref_slice %arg7[%add3A_360, %dma_wait3A_394] : memref<8192x384xf32, #tpu.memory_space<hbm>> -> memref<128x384xf32, #tpu.memory_space<hbm>>
    %dma_wait3A_396 = arith.constant 0 : i32
    %dma_wait3A_397 = arith.constant 0 : i32
    %dma_wait3A_398 = tpu.memref_slice %arg13[%dma_wait3A_387, %dma_wait3A_396, %dma_wait3A_397] : memref<2x128x384xf32, #tpu.memory_space<vmem>> -> memref<1x128x384xf32, #tpu.memory_space<vmem>>
    %dma_wait3A_399 = tpu.memref_squeeze %dma_wait3A_398 : memref<1x128x384xf32, #tpu.memory_space<vmem>> -> memref<128x384xf32, #tpu.memory_space<vmem>>
    tpu.wait_dma2 semaphore(%arg16 : memref<!tpu.dma_semaphore, #tpu.memory_space<semaphore_mem>>) src(%dma_wait3A_399 : memref<128x384xf32, #tpu.memory_space<vmem>>) dst(%dma_wait3A_395 : memref<128x384xf32, #tpu.memory_space<hbm>>)
    %dma_wait3A_400 = arith.constant 0 : i32
    %dma_wait3A_401 = arith.constant 0 : i32
    %dma_wait3A_402 = arith.constant 0 : i32
    %dma_wait3A_403 = tpu.memref_slice %arg13[%dma_wait3A_400, %dma_wait3A_401, %dma_wait3A_402] : memref<2x128x384xf32, #tpu.memory_space<vmem>> -> memref<1x128x384xf32, #tpu.memory_space<vmem>>
    %dma_wait3A_404 = tpu.memref_squeeze %dma_wait3A_403 : memref<1x128x384xf32, #tpu.memory_space<vmem>> -> memref<128x384xf32, #tpu.memory_space<vmem>>
    %dma_wait3A_405 = arith.constant 0 : i32
    %dma_wait3A_406 = tpu.memref_slice %arg10[%add3A_360, %dma_wait3A_405] : memref<8192x384xf32, #tpu.memory_space<hbm>> -> memref<128x384xf32, #tpu.memory_space<hbm>>
    %dma_wait3A_407 = arith.constant 0 : i32
    %dma_wait3A_408 = tpu.memref_slice %arg10[%add3A_360, %dma_wait3A_407] : memref<8192x384xf32, #tpu.memory_space<hbm>> -> memref<128x384xf32, #tpu.memory_space<hbm>>
    %dma_wait3A_409 = arith.constant 0 : i32
    %dma_wait3A_410 = arith.constant 0 : i32
    %dma_wait3A_411 = tpu.memref_slice %arg13[%dma_wait3A_400, %dma_wait3A_409, %dma_wait3A_410] : memref<2x128x384xf32, #tpu.memory_space<vmem>> -> memref<1x128x384xf32, #tpu.memory_space<vmem>>
    %dma_wait3A_412 = tpu.memref_squeeze %dma_wait3A_411 : memref<1x128x384xf32, #tpu.memory_space<vmem>> -> memref<128x384xf32, #tpu.memory_space<vmem>>
    tpu.wait_dma2 semaphore(%arg16 : memref<!tpu.dma_semaphore, #tpu.memory_space<semaphore_mem>>) src(%dma_wait3A_412 : memref<128x384xf32, #tpu.memory_space<vmem>>) dst(%dma_wait3A_408 : memref<128x384xf32, #tpu.memory_space<hbm>>)
    %dma_start3A_413 = arith.constant 0 : i32
    %dma_start3A_414 = arith.constant 0 : i32
    %dma_start3A_415 = arith.constant 0 : i32
    %dma_start3A_416 = tpu.memref_slice %arg13[%dma_start3A_413, %dma_start3A_414, %dma_start3A_415] : memref<2x128x384xf32, #tpu.memory_space<vmem>> -> memref<1x128x384xf32, #tpu.memory_space<vmem>>
    %dma_start3A_417 = tpu.memref_squeeze %dma_start3A_416 : memref<1x128x384xf32, #tpu.memory_space<vmem>> -> memref<128x384xf32, #tpu.memory_space<vmem>>
    %dma_start3A_418 = arith.constant 128 : i32
    %dma_start3A_419 = tpu.memref_slice %arg12[%dma_start3A_418] : memref<256xi32, #tpu.memory_space<vmem>> -> memref<128xi32, #tpu.memory_space<vmem>>
    %dma_start3A_420 = arith.constant 0 : i32
    %dma_start3A_421 = arith.constant 0 : i32
    %dma_start3A_422 = tpu.memref_slice %arg5[%dma_start3A_420, %dma_start3A_421] : memref<50304x384xf32, #tpu.memory_space<hbm>> -> memref<50304x384xf32, #tpu.memory_space<hbm>>
    tpu.enqueue_indirect_dma source(%dma_start3A_422 : memref<50304x384xf32, #tpu.memory_space<hbm>>) target(%dma_start3A_417 : memref<128x384xf32, #tpu.memory_space<vmem>>) offsets(%dma_start3A_419 : memref<128xi32, #tpu.memory_space<vmem>>) semaphore(%arg14 : memref<!tpu.dma_semaphore, #tpu.memory_space<semaphore_mem>>)
    %dma_wait3A_423 = arith.constant 1 : i32
    %dma_wait3A_424 = arith.constant 0 : i32
    %dma_wait3A_425 = arith.constant 0 : i32
    %dma_wait3A_426 = tpu.memref_slice %arg13[%dma_wait3A_423, %dma_wait3A_424, %dma_wait3A_425] : memref<2x128x384xf32, #tpu.memory_space<vmem>> -> memref<1x128x384xf32, #tpu.memory_space<vmem>>
    %dma_wait3A_427 = tpu.memref_squeeze %dma_wait3A_426 : memref<1x128x384xf32, #tpu.memory_space<vmem>> -> memref<128x384xf32, #tpu.memory_space<vmem>>
    %dma_wait3A_428 = arith.constant 0 : i32
    %dma_wait3A_429 = tpu.memref_slice %arg12[%dma_wait3A_428] : memref<256xi32, #tpu.memory_space<vmem>> -> memref<128xi32, #tpu.memory_space<vmem>>
    %dma_wait3A_430 = arith.constant 0 : i32
    %dma_wait3A_431 = arith.constant 0 : i32
    %dma_wait3A_432 = tpu.memref_slice %arg5[%dma_wait3A_430, %dma_wait3A_431] : memref<50304x384xf32, #tpu.memory_space<hbm>> -> memref<50304x384xf32, #tpu.memory_space<hbm>>
    tpu.wait_indirect_dma semaphore(%arg15 : memref<!tpu.dma_semaphore, #tpu.memory_space<semaphore_mem>>) src(%dma_wait3A_432 : memref<50304x384xf32, #tpu.memory_space<hbm>>) dst(%dma_wait3A_427 : memref<128x384xf32, #tpu.memory_space<vmem>>)
    %add3A_433 = arith.constant 0 : i32
    %add3A_434 = arith.addi %mul3A_2, %add3A_433 : i32
    %dma_start3A_435 = arith.constant 1 : i32
    %dma_start3A_436 = arith.constant 0 : i32
    %dma_start3A_437 = arith.constant 0 : i32
    %dma_start3A_438 = tpu.memref_slice %arg13[%dma_start3A_435, %dma_start3A_436, %dma_start3A_437] : memref<2x128x384xf32, #tpu.memory_space<vmem>> -> memref<1x128x384xf32, #tpu.memory_space<vmem>>
    %dma_start3A_439 = tpu.memref_squeeze %dma_start3A_438 : memref<1x128x384xf32, #tpu.memory_space<vmem>> -> memref<128x384xf32, #tpu.memory_space<vmem>>
    %dma_start3A_440 = arith.constant 0 : i32
    %dma_start3A_441 = tpu.memref_slice %arg8[%add3A_434, %dma_start3A_440] : memref<8192x384xf32, #tpu.memory_space<hbm>> -> memref<128x384xf32, #tpu.memory_space<hbm>>
    %dma_start3A_442 = arith.constant 0 : i32
    %dma_start3A_443 = tpu.memref_slice %arg8[%add3A_434, %dma_start3A_442] : memref<8192x384xf32, #tpu.memory_space<hbm>> -> memref<128x384xf32, #tpu.memory_space<hbm>>
    %dma_start3A_444 = arith.constant 0 : i32
    %dma_start3A_445 = arith.constant 0 : i32
    %dma_start3A_446 = tpu.memref_slice %arg13[%dma_start3A_435, %dma_start3A_444, %dma_start3A_445] : memref<2x128x384xf32, #tpu.memory_space<vmem>> -> memref<1x128x384xf32, #tpu.memory_space<vmem>>
    %dma_start3A_447 = tpu.memref_squeeze %dma_start3A_446 : memref<1x128x384xf32, #tpu.memory_space<vmem>> -> memref<128x384xf32, #tpu.memory_space<vmem>>
    tpu.enqueue_dma source(%dma_start3A_447 : memref<128x384xf32, #tpu.memory_space<vmem>>) target(%dma_start3A_443 : memref<128x384xf32, #tpu.memory_space<hbm>>) target_semaphore(%arg17 : memref<!tpu.dma_semaphore, #tpu.memory_space<semaphore_mem>>)
    %dma_start3A_448 = arith.constant 1 : i32
    %dma_start3A_449 = arith.constant 0 : i32
    %dma_start3A_450 = arith.constant 0 : i32
    %dma_start3A_451 = tpu.memref_slice %arg13[%dma_start3A_448, %dma_start3A_449, %dma_start3A_450] : memref<2x128x384xf32, #tpu.memory_space<vmem>> -> memref<1x128x384xf32, #tpu.memory_space<vmem>>
    %dma_start3A_452 = tpu.memref_squeeze %dma_start3A_451 : memref<1x128x384xf32, #tpu.memory_space<vmem>> -> memref<128x384xf32, #tpu.memory_space<vmem>>
    %dma_start3A_453 = arith.constant 0 : i32
    %dma_start3A_454 = tpu.memref_slice %arg11[%add3A_434, %dma_start3A_453] : memref<8192x384xf32, #tpu.memory_space<hbm>> -> memref<128x384xf32, #tpu.memory_space<hbm>>
    %dma_start3A_455 = arith.constant 0 : i32
    %dma_start3A_456 = tpu.memref_slice %arg11[%add3A_434, %dma_start3A_455] : memref<8192x384xf32, #tpu.memory_space<hbm>> -> memref<128x384xf32, #tpu.memory_space<hbm>>
    %dma_start3A_457 = arith.constant 0 : i32
    %dma_start3A_458 = arith.constant 0 : i32
    %dma_start3A_459 = tpu.memref_slice %arg13[%dma_start3A_448, %dma_start3A_457, %dma_start3A_458] : memref<2x128x384xf32, #tpu.memory_space<vmem>> -> memref<1x128x384xf32, #tpu.memory_space<vmem>>
    %dma_start3A_460 = tpu.memref_squeeze %dma_start3A_459 : memref<1x128x384xf32, #tpu.memory_space<vmem>> -> memref<128x384xf32, #tpu.memory_space<vmem>>
    tpu.enqueue_dma source(%dma_start3A_460 : memref<128x384xf32, #tpu.memory_space<vmem>>) target(%dma_start3A_456 : memref<128x384xf32, #tpu.memory_space<hbm>>) target_semaphore(%arg17 : memref<!tpu.dma_semaphore, #tpu.memory_space<semaphore_mem>>)
    %dma_wait3A_461 = arith.constant 0 : i32
    %dma_wait3A_462 = arith.constant 0 : i32
    %dma_wait3A_463 = arith.constant 0 : i32
    %dma_wait3A_464 = tpu.memref_slice %arg13[%dma_wait3A_461, %dma_wait3A_462, %dma_wait3A_463] : memref<2x128x384xf32, #tpu.memory_space<vmem>> -> memref<1x128x384xf32, #tpu.memory_space<vmem>>
    %dma_wait3A_465 = tpu.memref_squeeze %dma_wait3A_464 : memref<1x128x384xf32, #tpu.memory_space<vmem>> -> memref<128x384xf32, #tpu.memory_space<vmem>>
    %dma_wait3A_466 = arith.constant 128 : i32
    %dma_wait3A_467 = tpu.memref_slice %arg12[%dma_wait3A_466] : memref<256xi32, #tpu.memory_space<vmem>> -> memref<128xi32, #tpu.memory_space<vmem>>
    %dma_wait3A_468 = arith.constant 0 : i32
    %dma_wait3A_469 = arith.constant 0 : i32
    %dma_wait3A_470 = tpu.memref_slice %arg5[%dma_wait3A_468, %dma_wait3A_469] : memref<50304x384xf32, #tpu.memory_space<hbm>> -> memref<50304x384xf32, #tpu.memory_space<hbm>>
    tpu.wait_indirect_dma semaphore(%arg14 : memref<!tpu.dma_semaphore, #tpu.memory_space<semaphore_mem>>) src(%dma_wait3A_470 : memref<50304x384xf32, #tpu.memory_space<hbm>>) dst(%dma_wait3A_465 : memref<128x384xf32, #tpu.memory_space<vmem>>)
    %add3A_471 = arith.constant 128 : i32
    %add3A_472 = arith.addi %mul3A_2, %add3A_471 : i32
    %dma_start3A_473 = arith.constant 0 : i32
    %dma_start3A_474 = arith.constant 0 : i32
    %dma_start3A_475 = arith.constant 0 : i32
    %dma_start3A_476 = tpu.memref_slice %arg13[%dma_start3A_473, %dma_start3A_474, %dma_start3A_475] : memref<2x128x384xf32, #tpu.memory_space<vmem>> -> memref<1x128x384xf32, #tpu.memory_space<vmem>>
    %dma_start3A_477 = tpu.memref_squeeze %dma_start3A_476 : memref<1x128x384xf32, #tpu.memory_space<vmem>> -> memref<128x384xf32, #tpu.memory_space<vmem>>
    %dma_start3A_478 = arith.constant 0 : i32
    %dma_start3A_479 = tpu.memref_slice %arg8[%add3A_472, %dma_start3A_478] : memref<8192x384xf32, #tpu.memory_space<hbm>> -> memref<128x384xf32, #tpu.memory_space<hbm>>
    %dma_start3A_480 = arith.constant 0 : i32
    %dma_start3A_481 = tpu.memref_slice %arg8[%add3A_472, %dma_start3A_480] : memref<8192x384xf32, #tpu.memory_space<hbm>> -> memref<128x384xf32, #tpu.memory_space<hbm>>
    %dma_start3A_482 = arith.constant 0 : i32
    %dma_start3A_483 = arith.constant 0 : i32
    %dma_start3A_484 = tpu.memref_slice %arg13[%dma_start3A_473, %dma_start3A_482, %dma_start3A_483] : memref<2x128x384xf32, #tpu.memory_space<vmem>> -> memref<1x128x384xf32, #tpu.memory_space<vmem>>
    %dma_start3A_485 = tpu.memref_squeeze %dma_start3A_484 : memref<1x128x384xf32, #tpu.memory_space<vmem>> -> memref<128x384xf32, #tpu.memory_space<vmem>>
    tpu.enqueue_dma source(%dma_start3A_485 : memref<128x384xf32, #tpu.memory_space<vmem>>) target(%dma_start3A_481 : memref<128x384xf32, #tpu.memory_space<hbm>>) target_semaphore(%arg16 : memref<!tpu.dma_semaphore, #tpu.memory_space<semaphore_mem>>)
    %dma_start3A_486 = arith.constant 0 : i32
    %dma_start3A_487 = arith.constant 0 : i32
    %dma_start3A_488 = arith.constant 0 : i32
    %dma_start3A_489 = tpu.memref_slice %arg13[%dma_start3A_486, %dma_start3A_487, %dma_start3A_488] : memref<2x128x384xf32, #tpu.memory_space<vmem>> -> memref<1x128x384xf32, #tpu.memory_space<vmem>>
    %dma_start3A_490 = tpu.memref_squeeze %dma_start3A_489 : memref<1x128x384xf32, #tpu.memory_space<vmem>> -> memref<128x384xf32, #tpu.memory_space<vmem>>
    %dma_start3A_491 = arith.constant 0 : i32
    %dma_start3A_492 = tpu.memref_slice %arg11[%add3A_472, %dma_start3A_491] : memref<8192x384xf32, #tpu.memory_space<hbm>> -> memref<128x384xf32, #tpu.memory_space<hbm>>
    %dma_start3A_493 = arith.constant 0 : i32
    %dma_start3A_494 = tpu.memref_slice %arg11[%add3A_472, %dma_start3A_493] : memref<8192x384xf32, #tpu.memory_space<hbm>> -> memref<128x384xf32, #tpu.memory_space<hbm>>
    %dma_start3A_495 = arith.constant 0 : i32
    %dma_start3A_496 = arith.constant 0 : i32
    %dma_start3A_497 = tpu.memref_slice %arg13[%dma_start3A_486, %dma_start3A_495, %dma_start3A_496] : memref<2x128x384xf32, #tpu.memory_space<vmem>> -> memref<1x128x384xf32, #tpu.memory_space<vmem>>
    %dma_start3A_498 = tpu.memref_squeeze %dma_start3A_497 : memref<1x128x384xf32, #tpu.memory_space<vmem>> -> memref<128x384xf32, #tpu.memory_space<vmem>>
    tpu.enqueue_dma source(%dma_start3A_498 : memref<128x384xf32, #tpu.memory_space<vmem>>) target(%dma_start3A_494 : memref<128x384xf32, #tpu.memory_space<hbm>>) target_semaphore(%arg16 : memref<!tpu.dma_semaphore, #tpu.memory_space<semaphore_mem>>)
    %dma_wait3A_499 = arith.constant 1 : i32
    %dma_wait3A_500 = arith.constant 0 : i32
    %dma_wait3A_501 = arith.constant 0 : i32
    %dma_wait3A_502 = tpu.memref_slice %arg13[%dma_wait3A_499, %dma_wait3A_500, %dma_wait3A_501] : memref<2x128x384xf32, #tpu.memory_space<vmem>> -> memref<1x128x384xf32, #tpu.memory_space<vmem>>
    %dma_wait3A_503 = tpu.memref_squeeze %dma_wait3A_502 : memref<1x128x384xf32, #tpu.memory_space<vmem>> -> memref<128x384xf32, #tpu.memory_space<vmem>>
    %dma_wait3A_504 = arith.constant 0 : i32
    %dma_wait3A_505 = tpu.memref_slice %arg8[%add3A_434, %dma_wait3A_504] : memref<8192x384xf32, #tpu.memory_space<hbm>> -> memref<128x384xf32, #tpu.memory_space<hbm>>
    %dma_wait3A_506 = arith.constant 0 : i32
    %dma_wait3A_507 = tpu.memref_slice %arg8[%add3A_434, %dma_wait3A_506] : memref<8192x384xf32, #tpu.memory_space<hbm>> -> memref<128x384xf32, #tpu.memory_space<hbm>>
    %dma_wait3A_508 = arith.constant 0 : i32
    %dma_wait3A_509 = arith.constant 0 : i32
    %dma_wait3A_510 = tpu.memref_slice %arg13[%dma_wait3A_499, %dma_wait3A_508, %dma_wait3A_509] : memref<2x128x384xf32, #tpu.memory_space<vmem>> -> memref<1x128x384xf32, #tpu.memory_space<vmem>>
    %dma_wait3A_511 = tpu.memref_squeeze %dma_wait3A_510 : memref<1x128x384xf32, #tpu.memory_space<vmem>> -> memref<128x384xf32, #tpu.memory_space<vmem>>
    tpu.wait_dma2 semaphore(%arg17 : memref<!tpu.dma_semaphore, #tpu.memory_space<semaphore_mem>>) src(%dma_wait3A_511 : memref<128x384xf32, #tpu.memory_space<vmem>>) dst(%dma_wait3A_507 : memref<128x384xf32, #tpu.memory_space<hbm>>)
    %dma_wait3A_512 = arith.constant 1 : i32
    %dma_wait3A_513 = arith.constant 0 : i32
    %dma_wait3A_514 = arith.constant 0 : i32
    %dma_wait3A_515 = tpu.memref_slice %arg13[%dma_wait3A_512, %dma_wait3A_513, %dma_wait3A_514] : memref<2x128x384xf32, #tpu.memory_space<vmem>> -> memref<1x128x384xf32, #tpu.memory_space<vmem>>
    %dma_wait3A_516 = tpu.memref_squeeze %dma_wait3A_515 : memref<1x128x384xf32, #tpu.memory_space<vmem>> -> memref<128x384xf32, #tpu.memory_space<vmem>>
    %dma_wait3A_517 = arith.constant 0 : i32
    %dma_wait3A_518 = tpu.memref_slice %arg11[%add3A_434, %dma_wait3A_517] : memref<8192x384xf32, #tpu.memory_space<hbm>> -> memref<128x384xf32, #tpu.memory_space<hbm>>
    %dma_wait3A_519 = arith.constant 0 : i32
    %dma_wait3A_520 = tpu.memref_slice %arg11[%add3A_434, %dma_wait3A_519] : memref<8192x384xf32, #tpu.memory_space<hbm>> -> memref<128x384xf32, #tpu.memory_space<hbm>>
    %dma_wait3A_521 = arith.constant 0 : i32
    %dma_wait3A_522 = arith.constant 0 : i32
    %dma_wait3A_523 = tpu.memref_slice %arg13[%dma_wait3A_512, %dma_wait3A_521, %dma_wait3A_522] : memref<2x128x384xf32, #tpu.memory_space<vmem>> -> memref<1x128x384xf32, #tpu.memory_space<vmem>>
    %dma_wait3A_524 = tpu.memref_squeeze %dma_wait3A_523 : memref<1x128x384xf32, #tpu.memory_space<vmem>> -> memref<128x384xf32, #tpu.memory_space<vmem>>
    tpu.wait_dma2 semaphore(%arg17 : memref<!tpu.dma_semaphore, #tpu.memory_space<semaphore_mem>>) src(%dma_wait3A_524 : memref<128x384xf32, #tpu.memory_space<vmem>>) dst(%dma_wait3A_520 : memref<128x384xf32, #tpu.memory_space<hbm>>)
    %dma_wait3A_525 = arith.constant 0 : i32
    %dma_wait3A_526 = arith.constant 0 : i32
    %dma_wait3A_527 = arith.constant 0 : i32
    %dma_wait3A_528 = tpu.memref_slice %arg13[%dma_wait3A_525, %dma_wait3A_526, %dma_wait3A_527] : memref<2x128x384xf32, #tpu.memory_space<vmem>> -> memref<1x128x384xf32, #tpu.memory_space<vmem>>
    %dma_wait3A_529 = tpu.memref_squeeze %dma_wait3A_528 : memref<1x128x384xf32, #tpu.memory_space<vmem>> -> memref<128x384xf32, #tpu.memory_space<vmem>>
    %dma_wait3A_530 = arith.constant 0 : i32
    %dma_wait3A_531 = tpu.memref_slice %arg8[%add3A_472, %dma_wait3A_530] : memref<8192x384xf32, #tpu.memory_space<hbm>> -> memref<128x384xf32, #tpu.memory_space<hbm>>
    %dma_wait3A_532 = arith.constant 0 : i32
    %dma_wait3A_533 = tpu.memref_slice %arg8[%add3A_472, %dma_wait3A_532] : memref<8192x384xf32, #tpu.memory_space<hbm>> -> memref<128x384xf32, #tpu.memory_space<hbm>>
    %dma_wait3A_534 = arith.constant 0 : i32
    %dma_wait3A_535 = arith.constant 0 : i32
    %dma_wait3A_536 = tpu.memref_slice %arg13[%dma_wait3A_525, %dma_wait3A_534, %dma_wait3A_535] : memref<2x128x384xf32, #tpu.memory_space<vmem>> -> memref<1x128x384xf32, #tpu.memory_space<vmem>>
    %dma_wait3A_537 = tpu.memref_squeeze %dma_wait3A_536 : memref<1x128x384xf32, #tpu.memory_space<vmem>> -> memref<128x384xf32, #tpu.memory_space<vmem>>
    tpu.wait_dma2 semaphore(%arg16 : memref<!tpu.dma_semaphore, #tpu.memory_space<semaphore_mem>>) src(%dma_wait3A_537 : memref<128x384xf32, #tpu.memory_space<vmem>>) dst(%dma_wait3A_533 : memref<128x384xf32, #tpu.memory_space<hbm>>)
    %dma_wait3A_538 = arith.constant 0 : i32
    %dma_wait3A_539 = arith.constant 0 : i32
    %dma_wait3A_540 = arith.constant 0 : i32
    %dma_wait3A_541 = tpu.memref_slice %arg13[%dma_wait3A_538, %dma_wait3A_539, %dma_wait3A_540] : memref<2x128x384xf32, #tpu.memory_space<vmem>> -> memref<1x128x384xf32, #tpu.memory_space<vmem>>
    %dma_wait3A_542 = tpu.memref_squeeze %dma_wait3A_541 : memref<1x128x384xf32, #tpu.memory_space<vmem>> -> memref<128x384xf32, #tpu.memory_space<vmem>>
    %dma_wait3A_543 = arith.constant 0 : i32
    %dma_wait3A_544 = tpu.memref_slice %arg11[%add3A_472, %dma_wait3A_543] : memref<8192x384xf32, #tpu.memory_space<hbm>> -> memref<128x384xf32, #tpu.memory_space<hbm>>
    %dma_wait3A_545 = arith.constant 0 : i32
    %dma_wait3A_546 = tpu.memref_slice %arg11[%add3A_472, %dma_wait3A_545] : memref<8192x384xf32, #tpu.memory_space<hbm>> -> memref<128x384xf32, #tpu.memory_space<hbm>>
    %dma_wait3A_547 = arith.constant 0 : i32
    %dma_wait3A_548 = arith.constant 0 : i32
    %dma_wait3A_549 = tpu.memref_slice %arg13[%dma_wait3A_538, %dma_wait3A_547, %dma_wait3A_548] : memref<2x128x384xf32, #tpu.memory_space<vmem>> -> memref<1x128x384xf32, #tpu.memory_space<vmem>>
    %dma_wait3A_550 = tpu.memref_squeeze %dma_wait3A_549 : memref<1x128x384xf32, #tpu.memory_space<vmem>> -> memref<128x384xf32, #tpu.memory_space<vmem>>
    tpu.wait_dma2 semaphore(%arg16 : memref<!tpu.dma_semaphore, #tpu.memory_space<semaphore_mem>>) src(%dma_wait3A_550 : memref<128x384xf32, #tpu.memory_space<vmem>>) dst(%dma_wait3A_546 : memref<128x384xf32, #tpu.memory_space<hbm>>)
    return
  }
}

</mosaic_0001>

<sc_bundles>
// kernel: kernel.3.cloned.1.call-start
scs
__scs_entry_jumppad:
0x0: {  	(pc) =	sbr.rel $0x88, $3  }
0x1: {  	(tag) =	ssettag $0x0;
	lr =	simm.s32 $0x1  }
0x2: {  	[smem:$0x3F9D] =	sst lr;
	_ =	strace $0xD0000000  }
0x3: {  	_ = 	snop  }
0x4: {  	_ = 	snop  }
0x5: {  	_ = 	snop  }
0x6: {  	_ = 	snop  }
0x7: {  	_ = 	snop  }
__scs_overlays_trampoline_lowered:
0x8: {  	[smem:$0x3FAC] =	sst s0  }
0x9: {  	[smem:$0x3FAD] =	sst s1  }
0xa: {  	[smem:$0x3FAE] =	sst s2  }
0xb: {  	[smem:$0x3FAF] =	sst s3  }
0xc: {  	[smem:$0x3FB0] =	sst s4  }
0xd: {  	[smem:$0x3FB1] =	sst s5  }
0xe: {  	[smem:$0x3FB2] =	sst s6  }
0xf: {  	[smem:$0x3FB3] =	sst s7  }
0x10: {  	[smem:$0x3FB4] =	sst s8  }
0x11: {  	[smem:$0x3FB5] =	sst s9;
	s0 =	simm.s32 @!p0 $0x0  }
0x12: {  	s1 =	sld [smem:$0x3F9B];
	s0 =	simm.s32 @p0 $0x1  }
0x13: {  	[smem:$0x3FB6] =	sst s0;
	s0 =	simm.s32 @!p1 $0x0  }
0x14: {  	s2 =	sld [smem:$0x3F9A];
	s0 =	simm.s32 @p1 $0x1  }
0x15: {  	[smem:$0x3FB7] =	sst s0;
	s0 =	simm.s32 @!p2 $0x0  }
0x16: {  	s3 =	sld [smem:$0x3FDB];
	s0 =	simm.s32 @p2 $0x1  }
0x17: {  	s4 =	simm.s32 $0x1BF5;
	[smem:$0x3FB9] =	sst s0  }
0x18: {  	s0 =	sld [smem:$0x3F9C];
	_ =	swait.ge [sflag:s4], $0x0  }
0x19: {  	s7 =	sld [smem:$0x3F9D]  }
0x1a: {  	s8 =	sadd.s32 $0xFFFFE003, lr  }
0x1b: {  	s9 =	sadd.s32 $0xFFFFFEF7, lr;
	s5 =	simm.s32 $0xFFFFFFFF;
	p2 =	slt.u32 s8, $0xFFFFF086  }
0x1c: {  	p1 =	slt.u32 s9, $0xF7A;
	s5 =	simm.s32 @!p2 $0x0  }
0x1d: {  	s5 =	simm.s32 @p1 $0x1;
	p0 =	seq.s32 s7, s2  }
0x1e: {  	s7 =	smul.u32 @!p0 $0xF7A, s2;
	p2 =	seq.s32 @!p0 s5, $0x0  }
0x1f: {  	s9 =	smul.u32 $0xF7A, s1;
	s8 =	simm.s32 @!p0 $0x1BF5;
	p2 =	por !p2, p0  }
0x20: {  	[sflag:s8] =	ssyncset.s32 @!p0 $0xFFFFF086;
	s6 =	sadd.s32 @!p0 s3, s7;
	s7 =	simm.s32 @!p0 $0x108  }
0x21: {  	s3 =	sadd.s32 s3, s9;
	s6 =	sadd.s32 @!p0 $0x88, s6;
	s7 =	simm.s32 @p2 $0x1082  }
0x22: {  	[simem:s7], [sflag:s8] =	dma.local @!p0 [hbm:s6], $0xF7A  }
0x23: {  	s9 =	sor.u32 $0xD0000000, s2;
	s6 =	simm.s32 $0x108;
	_ =	swait.ge @!p0 [sflag:s8], $0x0  }
0x24: {  	s3 =	sadd.s32 $0x88, s3;
	s6 =	simm.s32 @!p1 $0x1082;
	[sflag:s4] =	ssyncset.s32 $0xFFFFF086  }
0x25: {  	[simem:s6], [sflag:s4] =	dma.local [hbm:s3], $0xF7A  }
0x26: {  	[smem:$0x3F9D] =	sst s1;
	(tag) =	ssettag s2;
	_ =	strace s9  }
0x27: {  	s1 =	sld [smem:$0x3FAD]  }
0x28: {  	s2 =	sld [smem:$0x3FAE]  }
0x29: {  	s4 =	sld [smem:$0x3FB0]  }
0x2a: {  	p0 =	seq.s32 s5, $0x0;
	s5 =	sld [smem:$0x3FB1]  }
0x2b: {  	s6 =	sld [smem:$0x3FB2]  }
0x2c: {  	s7 =	sld [smem:$0x3FB3]  }
0x2d: {  	s3 =	simm.s32 $0x108;
	s8 =	sld [smem:$0x3FB4]  }
0x2e: {  	s3 =	simm.s32 @!p0 $0x1082;
	s9 =	sld [smem:$0x3FB5]  }
0x2f: {  	lr =	sadd.s32 s0, s3;
	s0 =	sld [smem:$0x3FAC]  }
0x30: {  	s3 =	sld [smem:$0x3FAF]  }
0x31: {  	[smem:$0x3FB8] =	sst s10  }
0x32: {  	s10 =	sld [smem:$0x3FB6];
	_ =	sdelay $0x3  }
0x33: {  	p0 =	seq.s32 s10, $0x1;
	s10 =	sld [smem:$0x3FB8];
	_ =	sdelay $0x3  }
0x34: {  	[smem:$0x3FB8] =	sst s10  }
0x35: {  	s10 =	sld [smem:$0x3FB7];
	_ =	sdelay $0x3  }
0x36: {  	p1 =	seq.s32 s10, $0x1;
	s10 =	sld [smem:$0x3FB8];
	_ =	sdelay $0x3  }
0x37: {  	[smem:$0x3FB8] =	sst s10  }
0x38: {  	s10 =	sld [smem:$0x3FB9]  }
0x39: {  	_ = 	snop;
	(pc) =	sbr.ind lr, $3  }
0x3a: {  	_ = 	snop  }
0x3b: {  	_ = 	snop  }
0x3c: {  	p2 =	seq.s32 s10, $0x1;
	s10 =	sld [smem:$0x3FB8]  }
0x3d: {  	_ =	shalt  }
0x3e: {  	_ =	shalt  }
0x3f: {  	_ =	shalt  }
0x40: {  	_ =	shalt  }
0x41: {  	_ =	shalt  }
0x42: {  	_ =	shalt  }
0x43: {  	_ =	shalt  }
0x44: {  	_ =	shalt  }
0x45: {  	_ =	shalt  }
0x46: {  	_ =	shalt  }
0x47: {  	_ =	shalt  }
0x48: {  	_ =	shalt  }
0x49: {  	_ =	shalt  }
0x4a: {  	_ =	shalt  }
0x4b: {  	_ =	shalt  }
0x4c: {  	_ =	shalt  }
0x4d: {  	_ =	shalt  }
0x4e: {  	_ =	shalt  }
0x4f: {  	_ =	shalt  }
0x50: {  	_ =	shalt  }
0x51: {  	_ =	shalt  }
0x52: {  	_ =	shalt  }
0x53: {  	_ =	shalt  }
0x54: {  	_ =	shalt  }
0x55: {  	_ =	shalt  }
0x56: {  	_ =	shalt  }
0x57: {  	_ =	shalt  }
0x58: {  	_ =	shalt  }
0x59: {  	_ =	shalt  }
0x5a: {  	_ =	shalt  }
0x5b: {  	_ =	shalt  }
0x5c: {  	_ =	shalt  }
0x5d: {  	_ =	shalt  }
0x5e: {  	_ =	shalt  }
0x5f: {  	_ =	shalt  }
0x60: {  	_ =	shalt  }
0x61: {  	_ =	shalt  }
0x62: {  	_ =	shalt  }
0x63: {  	_ =	shalt  }
0x64: {  	_ =	shalt  }
0x65: {  	_ =	shalt  }
0x66: {  	_ =	shalt  }
0x67: {  	_ =	shalt  }
0x68: {  	_ =	shalt  }
0x69: {  	_ =	shalt  }
0x6a: {  	_ =	shalt  }
0x6b: {  	_ =	shalt  }
0x6c: {  	_ =	shalt  }
0x6d: {  	_ =	shalt  }
0x6e: {  	_ =	shalt  }
0x6f: {  	_ =	shalt  }
0x70: {  	_ =	shalt  }
0x71: {  	_ =	shalt  }
0x72: {  	_ =	shalt  }
0x73: {  	_ =	shalt  }
0x74: {  	_ =	shalt  }
0x75: {  	_ =	shalt  }
0x76: {  	_ =	shalt  }
0x77: {  	_ =	shalt  }
0x78: {  	_ =	shalt  }
0x79: {  	_ =	shalt  }
0x7a: {  	_ =	shalt  }
0x7b: {  	_ =	shalt  }
0x7c: {  	_ =	shalt  }
0x7d: {  	_ =	shalt  }
0x7e: {  	_ =	shalt  }
0x7f: {  	_ =	shalt  }
0x80: {  	_ =	shalt  }
0x81: {  	_ =	shalt  }
0x82: {  	_ =	shalt  }
0x83: {  	_ =	shalt  }
0x84: {  	_ =	shalt  }
0x85: {  	_ =	shalt  }
0x86: {  	_ =	shalt  }
0x87: {  	_ =	shalt  }
.Lfunc_end0:
.L_simem_size_0:
called_computation_lowered:
.L_overlay_start_0:
0x88: {  	s2 =	sld [smem:$0x3FD9]  }
0x89: {  	s3 =	sld [smem:$0x3FFE];
	_ =	sdelay $0x1  }
0x8a: {  	s1 =	srdreg.scid  }
0x8b: {  	s0 =	sand.u32 $0x1, s1  }
0x8c: {  	s15 =	sshll.u32 s0, $0xA;
	s2 =	sadd.s32 s3, s2  }
0x8d: {  	s2 =	sadd.s32 s2, s15  }
0x8e: {  	[smem:$0x3FC4] =	sst s2  }
0x8f: {  	_ = 	snop  }
0x90: {  	s2 =	sld [smem:$0x3FC9]  }
0x91: {  	s16 =	sld [smem:$0x3FD0]  }
0x92: {  	s4 =	sld [smem:$0x3FC8]  }
0x93: {  	s5 =	sld [smem:$0x3FC7]  }
0x94: {  	s7 =	simm.s32 $0xA;
	s8 =	simm.s32 $0x10;
	s6 =	sld [smem:$0x3FC6]  }
0x95: {  	[smem:s8], [sflag:s7] =	dma.local [hbm:s16], $0x1  }
0x96: {  	_ =	swait.eq [sflag:s7], $0x1  }
0x97: {  	s17 =	sld [smem:$0x10]  }
0x98: {  	s18 =	sld [smem:$0x11]  }
0x99: {  	s9 =	sld [smem:$0x12]  }
0x9a: {  	s10 =	sld [smem:$0x13];
	[sflag:s7] =	ssyncset.done $0x0  }
0x9b: {  	s11 =	sld [smem:$0x14];
	[sflag:s7] =	ssyncadd.s32 $0xFFFFFFFF  }
0x9c: {  	s19 =	sld [smem:$0x15];
	(tm) =	ssettm $0x1  }
0x9d: {  	s12 =	sld [smem:$0x3FFB];
	_ =	sdelay $0x3  }
0x9e: {  	_ =	strace s12  }
0x9f: {  	s12 =	sld [smem:$0x3FFC];
	_ =	sdelay $0x3  }
0xa0: {  	_ =	strace s12  }
0xa1: {  	s12 =	sld [smem:$0x3FFD];
	_ =	sdelay $0x3  }
0xa2: {  	_ =	strace s12  }
0xa3: {  	_ =	strace $0x8FFFFFFF  }
0xa4: {  	s20 =	sld [smem:$0x3FDB];
	_ =	sdelay $0x1  }
0xa5: {  	s13 =	simm.s32 $_scs_section_size  }
0xa6: {  	s14 =	simm.s32 $_size__tile_overlayer_lowered;
	s15 =	simm.s32 $_tile_overlayer_lowered  }
0xa7: {  	s23 =	simm.s32 $0x1BFF;
	s22 =	sshll.u32 s15, $0x1;
	s12 =	sadd.s32 s13, s20  }
0xa8: {  	s21 =	sshll.u32 s14, $0x1;
	s16 =	simm.s32 $0x0;
	s14 =	sadd.s32 s22, s12  }
0xa9: {  	[timem:s16], [sflag:s23] =	dma.local [hbm:s14], s21  }
0xaa: {  	_ =	swait.ge [sflag:s23], s21  }
0xab: {  	s13 =	ssub.s32 $0x0, s21;
	[sflag:s23] =	ssyncset.done $0x0  }
0xac: {  	[sflag:s23] =	ssyncadd.s32 s13;
	_ =	sdelay $0x1  }
0xad: {  	s24 =	simm.s32 $0x1B8B  }
0xae: {  	_ =	swait.ge [sflag:s24], $0x1  }
0xaf: {  	[sflag:s24] =	ssyncset.done $0x0  }
0xb0: {  	s25 =	simm.s32 $0x1B8E;
	[sflag:s24] =	ssyncadd.s32 $0xFFFFFFFF  }
0xb1: {  	s26 =	simm.s32 $execute0_lowered;
	[smem:$0x3FD2] =	sst s25  }
0xb2: {  	s13 =	sshll.u32 s26, $0x1;
	_ =	strace $0x80000046;
	[dreg:$0x1] =	wrdreg $0xFFFFFFFF  }
0xb3: {  	s28 =	simm.s32 $_size_execute0_lowered;
	s12 =	sadd.s32 s12, s13;
	[dreg:$0x0] =	wrdreg $0x0  }
0xb4: {  	s13 =	sshll.u32 s28, $0x1;
	[dreg:$0x2] =	wrdreg s12  }
0xb5: {  	[dreg:$0x3] =	wrdreg s13  }
0xb6: {  	[dreg:$0x4] =	wrdreg $0xC0  }
0xb7: {  	_ =	task [dreg:s16], $0x5FFFF  }
0xb8: {  	[dreg:$0x1] =	wrdreg $0xFFFFFFFF  }
0xb9: {  	[dreg:$0x0] =	wrdreg $0x60  }
0xba: {  	[dreg:$0x2] =	wrdreg s2  }
0xbb: {  	[dreg:$0x3] =	wrdreg s4  }
0xbc: {  	[dreg:$0x4] =	wrdreg s5  }
0xbd: {  	[dreg:$0x5] =	wrdreg s6  }
0xbe: {  	[dreg:$0x6] =	wrdreg s17  }
0xbf: {  	[dreg:$0x7] =	wrdreg s18  }
0xc0: {  	[dreg:$0x8] =	wrdreg s9  }
0xc1: {  	[dreg:$0x9] =	wrdreg s10  }
0xc2: {  	[dreg:$0xa] =	wrdreg s11  }
0xc3: {  	[dreg:$0xb] =	wrdreg s19  }
0xc4: {  	[dreg:$0xc] =	wrdreg $0x9  }
0xc5: {  	_ =	task.clear_ibuf [dreg:s16], $0xDFFFF;
	_ =	strace $0x90000046  }
0xc6: {  	s29 =	simm.s32 $0x9;
	_ =	strace $0x80000048  }
0xc7: {  	_ =	swait.ge [sflag:s29], $0x1  }
0xc8: {  	[sflag:s29] =	ssyncadd.s32 $0xFFFFFFFF  }
0xc9: {  	_ =	strace $0x90000048  }
0xca: {  	_ =	sfence  }
0xcb: {  	s30 =	sld [smem:$0x0];
	_ =	sdelay $0x2  }
0xcc: {  	s31 =	sshll.u32 s1, $0xD;
	s1 =	sshrl.u32 s1, $0x2  }
0xcd: {  	s3 =	sand.u32 $0x4000, s31;
	s1 =	sadd.s32 s1, s30  }
0xce: {  	s0 =	sor.u32 s3, s0;
	s1 =	sshll.u32 s1, $0x11  }
0xcf: {  	s0 =	sor.u32 s1, s0  }
0xd0: {  	s0 =	sadd.s32 $0x8F2B, s0  }
0xd1: {  	[sflag:s0] =	ssyncadd.remote.s32 $0x1  }
0xd2: {  	_ =	sfence.sel $0xFFFF  }
0xd3: {  	[dreg:$0x0] =	wrdreg $0xFFFFFFFF;
	(pc) =	sbr.abs _section_cstart, $3  }
0xd4: {  	[dreg:$0x1] =	wrdreg $0xFFFFFFFF  }
0xd5: {  	_ =	task.clear_ibuf [dreg:s16], $0x2FFFF;
	_ =	strace $0x9FFFFFFF  }
0xd6: {  	(tm) =	ssettm $0x7FFFFFFF  }
0xd7: {  	_ =	shalt  }
tec
execute0_lowered:
.L_overlay_start_1:
0x0: {  	(tag) =	ssettag $0x1  }
0x1: {  	s3 =	rddreg [dreg:$0x0]  }
0x2: {  	s0 =	rddreg [dreg:$0x1]  }
0x3: {  	s1 =	rddreg [dreg:$0x2]  }
0x4: {  	s2 =	rddreg [dreg:$0x3]  }
0x5: {  	s4 =	rddreg [dreg:$0x4]  }
0x6: {  	s6 =	rddreg [dreg:$0x5]  }
0x7: {  	s7 =	rddreg [dreg:$0x6]  }
0x8: {  	s8 =	rddreg [dreg:$0x7]  }
0x9: {  	s5 =	srdreg.scid;
	s13 =	stileid.u32  }
0xa: {  	s9 =	rddreg [dreg:$0x8];
	s11 =	sand.u32 $0x1, s5;
	s12 =	sshll.u32 s13, $0x1  }
0xb: {  	s10 =	rddreg [dreg:$0x9];
	s13 =	sshll.u32 s13, $0x2;
	s12 =	sor.u32 s11, s12  }
0xc: {  	s5 =	simm.s32 $0x0;
	s13 =	sand.u32 $0x30, s13;
	s14 =	sshll.u32 s12, $0x7  }
0xd: {  	s3 =	sadd.s32 s3, s13;
	s24 =	smul.u32 $0x3000, s12;
	s14 =	sand.u32 $0x380, s14  }
0xe: {  	[smem:$0x7FF] =	sst s5;
	s3 =	sadd.s32 s14, s3  }
0xf: {  	_ =	strace $0x80000047;
	s25 =	sadd.s32 s4, s24;
	[dreg:$0xb] =	wrdreg s3  }
0x10: {  	s30 =	simm.s32 $0x1;
	s26 =	sadd.s32 s8, s24;
	[dreg:$0xc] =	wrdreg s25  }
0x11: {  	s31 =	simm.s32 $0x3;
	s17 =	sadd.s32 s6, s24;
	[dreg:$0xd] =	wrdreg s26  }
0x12: {  	s22 =	ssub.s32 $0x2, s11;
	s18 =	sadd.s32 s9, s24;
	[dreg:$0x12] =	wrdreg s17  }
0x13: {  	s12 =	smul.u32 $0x18000, s12;
	s21 =	sadd.s32 s7, s24;
	[dreg:$0x13] =	wrdreg s18  }
0x14: {  	s28 =	sor.u32 $0x600, s24;
	s23 =	sadd.s32 s10, s24;
	[dreg:$0x16] =	wrdreg s21  }
0x15: {  	s11 =	simm.s32 $0x100;
	s29 =	sadd.s32 s4, s28;
	[dreg:$0x17] =	wrdreg s23  }
0x16: {  	s12 =	sshrl.u32 s12, $0x3;
	s14 =	sadd.s32 s8, s28;
	[dreg:$0xe] =	wrdreg s29  }
0x17: {  	s12 =	sadd.s32 $0x1800, s12;
	s28 =	simm.s32 $0x80;
	[dreg:$0xf] =	wrdreg s14  }
0x18: {  	s24 =	sshrl.u32 s22, $0x1;
	s15 =	sadd.s32 s4, s12;
	[dreg:$0x1a] =	wrdreg s28  }
0x19: {  	s3 =	simm.s32 $0x2;
	s16 =	sadd.s32 s8, s12;
	[dreg:$0x10] =	wrdreg s15  }
0x1a: {  	s19 =	sadd.s32 s6, s12;
	s20 =	sadd.s32 s9, s12;
	[dreg:$0x11] =	wrdreg s16  }
0x1b: {  	s25 =	sadd.s32 s7, s12;
	s4 =	ssub.s32 s22, s24;
	[dreg:$0x14] =	wrdreg s19  }
0x1c: {  	s26 =	sadd.s32 s10, s12;
	s6 =	sadd.s32 $0x100, s0;
	[dreg:$0x15] =	wrdreg s20  }
0x1d: {  	v2 =	vlaneseq.u32;
	s7 =	sadd.s32 $0x100, s1;
	s29 =	simm.s32 $0x200;
	[dreg:$0x18] =	wrdreg s25  }
0x1e: {  	vm0 =	vmmov $0xffff;
	vm1 =	vmmov $0xff;
	v1 =	vshrl.u32 v2, $0x3;
	s8 =	sadd.s32 $0x100, s2;
	s22 =	simm.s32 $0xC100;
	[dreg:$0x19] =	wrdreg s26  }
0x1f: {  	v0 =	vand.u32 $0x7, v2;
	v2 =	vor.u32 $0x8, v2;
	v1 =	vmul.u32 $0x8, v1;
	s9 =	smax.u32 s4, $0x1;
	[dreg:$0x1b] =	wrdreg s29;
	s4 =	simm.s32 $0x4  }
.LBB2_1:
0x20: {  	s10 =	rddreg [dreg:$0xb]  }
0x21: {  	s20 =	rddreg [dreg:$0x1a]  }
0x22: {  	s21 =	rddreg [dreg:$0x1b];
	s19 =	simm.s32 $0x5  }
0x23: {  	[tilespmem:s5], [sflag:$0x5] =	stream.strided.gather [hbm4b:s10+s20], $0x100, s21, s20, $0x38;
	[tilespmem:$0x18100] =	vst v63  }
0x24: {  	_ =	swait.ge [sflag:s19], $0x100  }
0x25: {  	[sflag:s19] =	ssyncset.done $0x0  }
0x26: {  	[sflag:s19] =	ssyncadd.s32 $0xFFFFFF00  }
0x27: {  	v3 =	vld [tilespmem:$0x0];
	_ =	sdelay $0x4  }
0x28: {  	v4 =	vshrl.u32 v3, $0x3  }
0x29: {  	v4 =	vmul.u32 $0x18, v4  }
0x2a: {  	v3 =	vand.u32 $0x7, v3  }
0x2b: {  	v3 =	vor.u32 v3, v4  }
0x2c: {  	v4 =	vperm.xlane v3, v0;
	_ =	sdelay $0x1  }
0x2d: {  	v4 =	vadd.s32 v1, v4;
	_ =	sdelay $0x1  }
0x2e: {  	v3 =	vperm.xlane v3, v2;
	_ =	sdelay $0x1  }
0x2f: {  	v3 =	vadd.s32 v1, v3  }
0x30: {  	[tilespmem:s11], [sflag:$0x1] =	stream.indirect_vreg.gather [hbm4b:s0+s5], $0x80, v4, vm0, $0xb8;
	[tilespmem:$0x18100] =	vst v63  }
0x31: {  	s20 =	simm.s32 $0x900  }
0x32: {  	[tilespmem:s20], [sflag:$0x1] =	stream.indirect_vreg.gather [hbm4b:s6+s5], $0x80, v4, vm1, $0xb8;
	[tilespmem:$0x18100] =	vst v63  }
0x33: {  	s21 =	simm.s32 $0xD00  }
0x34: {  	[tilespmem:s21], [sflag:$0x1] =	stream.indirect_vreg.gather [hbm4b:s0+s5], $0x80, v3, vm0, $0xb8;
	[tilespmem:$0x18100] =	vst v63  }
0x35: {  	s23 =	simm.s32 $0x1500  }
0x36: {  	[tilespmem:s23], [sflag:$0x1] =	stream.indirect_vreg.gather [hbm4b:s6+s5], $0x80, v3, vm1, $0xb8;
	[tilespmem:$0x18100] =	vst v63  }
0x37: {  	v3 =	vld [tilespmem:$0x10];
	_ =	sdelay $0x4  }
0x38: {  	v17 =	vshrl.u32 v3, $0x3  }
0x39: {  	v4 =	vmul.u32 $0x18, v17  }
0x3a: {  	v3 =	vand.u32 $0x7, v3  }
0x3b: {  	v3 =	vor.u32 v3, v4  }
0x3c: {  	v4 =	vperm.xlane v3, v0;
	_ =	sdelay $0x1  }
0x3d: {  	v4 =	vadd.s32 v1, v4;
	_ =	sdelay $0x1  }
0x3e: {  	v3 =	vperm.xlane v3, v2;
	_ =	sdelay $0x1  }
0x3f: {  	s24 =	simm.s32 $0x1900;
	v3 =	vadd.s32 v1, v3  }
0x40: {  	[tilespmem:s24], [sflag:$0x1] =	stream.indirect_vreg.gather [hbm4b:s0+s5], $0x80, v4, vm0, $0xb8;
	[tilespmem:$0x18100] =	vst v63  }
0x41: {  	s25 =	simm.s32 $0x2100  }
0x42: {  	[tilespmem:s25], [sflag:$0x1] =	stream.indirect_vreg.gather [hbm4b:s6+s5], $0x80, v4, vm1, $0xb8;
	[tilespmem:$0x18100] =	vst v63  }
0x43: {  	s26 =	simm.s32 $0x2500  }
0x44: {  	[tilespmem:s26], [sflag:$0x1] =	stream.indirect_vreg.gather [hbm4b:s0+s5], $0x80, v3, vm0, $0xb8;
	[tilespmem:$0x18100] =	vst v63  }
0x45: {  	s28 =	simm.s32 $0x2D00  }
0x46: {  	[tilespmem:s28], [sflag:$0x1] =	stream.indirect_vreg.gather [hbm4b:s6+s5], $0x80, v3, vm1, $0xb8;
	[tilespmem:$0x18100] =	vst v63  }
0x47: {  	v3 =	vld [tilespmem:$0x20];
	_ =	sdelay $0x4  }
0x48: {  	v18 =	vshrl.u32 v3, $0x3  }
0x49: {  	v4 =	vmul.u32 $0x18, v18  }
0x4a: {  	v3 =	vand.u32 $0x7, v3  }
0x4b: {  	v3 =	vor.u32 v3, v4  }
0x4c: {  	v4 =	vperm.xlane v3, v0;
	_ =	sdelay $0x1  }
0x4d: {  	v4 =	vadd.s32 v1, v4;
	_ =	sdelay $0x1  }
0x4e: {  	v3 =	vperm.xlane v3, v2;
	_ =	sdelay $0x1  }
0x4f: {  	v3 =	vadd.s32 v1, v3  }
0x50: {  	[tilespmem:s22], [sflag:$0x2] =	stream.indirect_vreg.gather [hbm4b:s0+s5], $0x80, v4, vm0, $0xb8;
	[tilespmem:$0x18100] =	vst v63  }
0x51: {  	s29 =	simm.s32 $0xC900  }
0x52: {  	[tilespmem:s29], [sflag:$0x2] =	stream.indirect_vreg.gather [hbm4b:s6+s5], $0x80, v4, vm1, $0xb8;
	[tilespmem:$0x18100] =	vst v63  }
0x53: {  	s19 =	simm.s32 $0xCD00  }
0x54: {  	[tilespmem:s19], [sflag:$0x2] =	stream.indirect_vreg.gather [hbm4b:s0+s5], $0x80, v3, vm0, $0xb8;
	[tilespmem:$0x18100] =	vst v63  }
0x55: {  	s20 =	simm.s32 $0xD500  }
0x56: {  	[tilespmem:s20], [sflag:$0x2] =	stream.indirect_vreg.gather [hbm4b:s6+s5], $0x80, v3, vm1, $0xb8;
	[tilespmem:$0x18100] =	vst v63  }
0x57: {  	v3 =	vld [tilespmem:$0x30];
	_ =	sdelay $0x4  }
0x58: {  	v19 =	vshrl.u32 v3, $0x3  }
0x59: {  	v4 =	vmul.u32 $0x18, v19  }
0x5a: {  	v3 =	vand.u32 $0x7, v3  }
0x5b: {  	v3 =	vor.u32 v3, v4  }
0x5c: {  	v4 =	vperm.xlane v3, v0;
	_ =	sdelay $0x1  }
0x5d: {  	v4 =	vadd.s32 v1, v4;
	_ =	sdelay $0x1  }
0x5e: {  	v3 =	vperm.xlane v3, v2;
	_ =	sdelay $0x1  }
0x5f: {  	s21 =	simm.s32 $0xD900;
	v3 =	vadd.s32 v1, v3  }
0x60: {  	[tilespmem:s21], [sflag:$0x2] =	stream.indirect_vreg.gather [hbm4b:s0+s5], $0x80, v4, vm0, $0xb8;
	[tilespmem:$0x18100] =	vst v63  }
0x61: {  	s23 =	simm.s32 $0xE100  }
0x62: {  	[tilespmem:s23], [sflag:$0x2] =	stream.indirect_vreg.gather [hbm4b:s6+s5], $0x80, v4, vm1, $0xb8;
	[tilespmem:$0x18100] =	vst v63  }
0x63: {  	s24 =	simm.s32 $0xE500  }
0x64: {  	[tilespmem:s24], [sflag:$0x2] =	stream.indirect_vreg.gather [hbm4b:s0+s5], $0x80, v3, vm0, $0xb8;
	[tilespmem:$0x18100] =	vst v63  }
0x65: {  	s26 =	simm.s32 $0xED00  }
0x66: {  	[tilespmem:s26], [sflag:$0x2] =	stream.indirect_vreg.gather [hbm4b:s6+s5], $0x80, v3, vm1, $0xb8;
	[tilespmem:$0x18100] =	vst v63  }
0x67: {  	v3 =	vld [tilespmem:$0x40];
	_ =	sdelay $0x4  }
0x68: {  	v20 =	vshrl.u32 v3, $0x3  }
0x69: {  	v4 =	vmul.u32 $0x18, v20  }
0x6a: {  	v3 =	vand.u32 $0x7, v3  }
0x6b: {  	v3 =	vor.u32 v3, v4  }
0x6c: {  	v4 =	vperm.xlane v3, v0;
	_ =	sdelay $0x1  }
0x6d: {  	v4 =	vadd.s32 v1, v4;
	_ =	sdelay $0x1  }
0x6e: {  	v3 =	vperm.xlane v3, v2;
	_ =	sdelay $0x1  }
0x6f: {  	s28 =	simm.s32 $0xF100;
	v3 =	vadd.s32 v1, v3  }
0x70: {  	[tilespmem:s28], [sflag:$0x2] =	stream.indirect_vreg.gather [hbm4b:s0+s5], $0x80, v4, vm0, $0xb8;
	[tilespmem:$0x18100] =	vst v63  }
0x71: {  	s29 =	simm.s32 $0xF900  }
0x72: {  	[tilespmem:s29], [sflag:$0x2] =	stream.indirect_vreg.gather [hbm4b:s6+s5], $0x80, v4, vm1, $0xb8;
	[tilespmem:$0x18100] =	vst v63  }
0x73: {  	s19 =	simm.s32 $0xFD00  }
0x74: {  	[tilespmem:s19], [sflag:$0x2] =	stream.indirect_vreg.gather [hbm4b:s0+s5], $0x80, v3, vm0, $0xb8;
	[tilespmem:$0x18100] =	vst v63  }
0x75: {  	s20 =	simm.s32 $0x10500  }
0x76: {  	[tilespmem:s20], [sflag:$0x2] =	stream.indirect_vreg.gather [hbm4b:s6+s5], $0x80, v3, vm1, $0xb8;
	[tilespmem:$0x18100] =	vst v63  }
0x77: {  	v3 =	vld [tilespmem:$0x50];
	_ =	sdelay $0x4  }
0x78: {  	v21 =	vshrl.u32 v3, $0x3  }
0x79: {  	v4 =	vmul.u32 $0x18, v21  }
0x7a: {  	v3 =	vand.u32 $0x7, v3  }
0x7b: {  	v3 =	vor.u32 v3, v4  }
0x7c: {  	v4 =	vperm.xlane v3, v0;
	_ =	sdelay $0x1  }
0x7d: {  	v4 =	vadd.s32 v1, v4;
	_ =	sdelay $0x1  }
0x7e: {  	v3 =	vperm.xlane v3, v2;
	_ =	sdelay $0x1  }
0x7f: {  	s21 =	simm.s32 $0x10900;
	v3 =	vadd.s32 v1, v3  }
0x80: {  	[tilespmem:s21], [sflag:$0x2] =	stream.indirect_vreg.gather [hbm4b:s0+s5], $0x80, v4, vm0, $0xb8;
	[tilespmem:$0x18100] =	vst v63  }
0x81: {  	s23 =	simm.s32 $0x11100  }
0x82: {  	[tilespmem:s23], [sflag:$0x2] =	stream.indirect_vreg.gather [hbm4b:s6+s5], $0x80, v4, vm1, $0xb8;
	[tilespmem:$0x18100] =	vst v63  }
0x83: {  	s24 =	simm.s32 $0x11500  }
0x84: {  	[tilespmem:s24], [sflag:$0x2] =	stream.indirect_vreg.gather [hbm4b:s0+s5], $0x80, v3, vm0, $0xb8;
	[tilespmem:$0x18100] =	vst v63  }
0x85: {  	s28 =	simm.s32 $0x11D00  }
0x86: {  	[tilespmem:s28], [sflag:$0x2] =	stream.indirect_vreg.gather [hbm4b:s6+s5], $0x80, v3, vm1, $0xb8;
	[tilespmem:$0x18100] =	vst v63  }
0x87: {  	v3 =	vld [tilespmem:$0x60];
	_ =	sdelay $0x4  }
0x88: {  	v22 =	vshrl.u32 v3, $0x3  }
0x89: {  	v4 =	vmul.u32 $0x18, v22  }
0x8a: {  	v3 =	vand.u32 $0x7, v3  }
0x8b: {  	v3 =	vor.u32 v3, v4  }
0x8c: {  	v4 =	vperm.xlane v3, v0;
	_ =	sdelay $0x1  }
0x8d: {  	v4 =	vadd.s32 v1, v4;
	_ =	sdelay $0x1  }
0x8e: {  	v3 =	vperm.xlane v3, v2;
	_ =	sdelay $0x1  }
0x8f: {  	s29 =	simm.s32 $0x12100;
	v3 =	vadd.s32 v1, v3  }
0x90: {  	[tilespmem:s29], [sflag:$0x2] =	stream.indirect_vreg.gather [hbm4b:s0+s5], $0x80, v4, vm0, $0xb8;
	[tilespmem:$0x18100] =	vst v63  }
0x91: {  	s20 =	simm.s32 $0x12900  }
0x92: {  	[tilespmem:s20], [sflag:$0x2] =	stream.indirect_vreg.gather [hbm4b:s6+s5], $0x80, v4, vm1, $0xb8;
	[tilespmem:$0x18100] =	vst v63  }
0x93: {  	s23 =	simm.s32 $0x12D00  }
0x94: {  	[tilespmem:s23], [sflag:$0x2] =	stream.indirect_vreg.gather [hbm4b:s0+s5], $0x80, v3, vm0, $0xb8;
	[tilespmem:$0x18100] =	vst v63  }
0x95: {  	s24 =	simm.s32 $0x13500  }
0x96: {  	[tilespmem:s24], [sflag:$0x2] =	stream.indirect_vreg.gather [hbm4b:s6+s5], $0x80, v3, vm1, $0xb8;
	[tilespmem:$0x18100] =	vst v63  }
0x97: {  	v3 =	vld [tilespmem:$0x70];
	_ =	sdelay $0x4  }
0x98: {  	v23 =	vshrl.u32 v3, $0x3  }
0x99: {  	v4 =	vmul.u32 $0x18, v23  }
0x9a: {  	v3 =	vand.u32 $0x7, v3  }
0x9b: {  	v3 =	vor.u32 v3, v4  }
0x9c: {  	v4 =	vperm.xlane v3, v0;
	_ =	sdelay $0x1  }
0x9d: {  	v4 =	vadd.s32 v1, v4;
	_ =	sdelay $0x1  }
0x9e: {  	v3 =	vperm.xlane v3, v2;
	_ =	sdelay $0x1  }
0x9f: {  	s20 =	simm.s32 $0x13900;
	v3 =	vadd.s32 v1, v3  }
0xa0: {  	[tilespmem:s20], [sflag:$0x2] =	stream.indirect_vreg.gather [hbm4b:s0+s5], $0x80, v4, vm0, $0xb8;
	[tilespmem:$0x18100] =	vst v63  }
0xa1: {  	s24 =	simm.s32 $0x14100  }
0xa2: {  	[tilespmem:s24], [sflag:$0x2] =	stream.indirect_vreg.gather [hbm4b:s6+s5], $0x80, v4, vm1, $0xb8;
	[tilespmem:$0x18100] =	vst v63  }
0xa3: {  	s20 =	simm.s32 $0x14500  }
0xa4: {  	[tilespmem:s20], [sflag:$0x2] =	stream.indirect_vreg.gather [hbm4b:s0+s5], $0x80, v3, vm0, $0xb8;
	[tilespmem:$0x18100] =	vst v63  }
0xa5: {  	s24 =	simm.s32 $0x14D00  }
0xa6: {  	[tilespmem:s24], [sflag:$0x2] =	stream.indirect_vreg.gather [hbm4b:s6+s5], $0x80, v3, vm1, $0xb8;
	[tilespmem:$0x18100] =	vst v63  }
0xa7: {  	_ =	swait.ge [sflag:s30], $0x3000  }
0xa8: {  	[sflag:s30] =	ssyncset.done $0x0  }
0xa9: {  	s10 =	rddreg [dreg:$0xc];
	[sflag:s30] =	ssyncadd.s32 $0xFFFFD000  }
0xaa: {  	[hbm4b:s10+s5] =	stream.linear.scatter [tilespmem:s11], [sflag:$0x3], $0x3000, $0x38;
	[tilespmem:$0x18100] =	vst v63  }
0xab: {  	s20 =	rddreg [dreg:$0xd]  }
0xac: {  	[hbm4b:s20+s5] =	stream.linear.scatter [tilespmem:s11], [sflag:$0x3], $0x3000, $0x38;
	[tilespmem:$0x18100] =	vst v63  }
0xad: {  	_ =	swait.ge [sflag:s31], $0x3000  }
0xae: {  	[sflag:s31] =	ssyncset.done $0x0  }
0xaf: {  	[sflag:s31] =	ssyncadd.s32 $0xFFFFD000  }
0xb0: {  	_ =	swait.ge [sflag:s31], $0x3000  }
0xb1: {  	[sflag:s31] =	ssyncset.done $0x0  }
0xb2: {  	[sflag:s31] =	ssyncadd.s32 $0xFFFFD000  }
0xb3: {  	v3 =	vld [tilespmem:$0x80];
	_ =	sdelay $0x4  }
0xb4: {  	v24 =	vshrl.u32 v3, $0x3  }
0xb5: {  	v4 =	vmul.u32 $0x18, v24  }
0xb6: {  	v3 =	vand.u32 $0x7, v3  }
0xb7: {  	v3 =	vor.u32 v3, v4  }
0xb8: {  	v4 =	vperm.xlane v3, v0;
	_ =	sdelay $0x1  }
0xb9: {  	v4 =	vadd.s32 v1, v4;
	_ =	sdelay $0x1  }
0xba: {  	v3 =	vperm.xlane v3, v2;
	_ =	sdelay $0x1  }
0xbb: {  	v3 =	vadd.s32 v1, v3  }
0xbc: {  	[tilespmem:s11], [sflag:$0x1] =	stream.indirect_vreg.gather [hbm4b:s0+s5], $0x80, v4, vm0, $0xb8;
	[tilespmem:$0x18100] =	vst v63  }
0xbd: {  	s12 =	simm.s32 $0x900  }
0xbe: {  	[tilespmem:s12], [sflag:$0x1] =	stream.indirect_vreg.gather [hbm4b:s6+s5], $0x80, v4, vm1, $0xb8;
	[tilespmem:$0x18100] =	vst v63  }
0xbf: {  	s13 =	simm.s32 $0xD00  }
0xc0: {  	[tilespmem:s13], [sflag:$0x1] =	stream.indirect_vreg.gather [hbm4b:s0+s5], $0x80, v3, vm0, $0xb8;
	[tilespmem:$0x18100] =	vst v63  }
0xc1: {  	s17 =	simm.s32 $0x1500  }
0xc2: {  	[tilespmem:s17], [sflag:$0x1] =	stream.indirect_vreg.gather [hbm4b:s6+s5], $0x80, v3, vm1, $0xb8;
	[tilespmem:$0x18100] =	vst v63  }
0xc3: {  	v3 =	vld [tilespmem:$0x90];
	_ =	sdelay $0x4  }
0xc4: {  	v25 =	vshrl.u32 v3, $0x3  }
0xc5: {  	v4 =	vmul.u32 $0x18, v25  }
0xc6: {  	v3 =	vand.u32 $0x7, v3  }
0xc7: {  	v3 =	vor.u32 v3, v4  }
0xc8: {  	v4 =	vperm.xlane v3, v0;
	_ =	sdelay $0x1  }
0xc9: {  	v4 =	vadd.s32 v1, v4;
	_ =	sdelay $0x1  }
0xca: {  	v3 =	vperm.xlane v3, v2;
	_ =	sdelay $0x1  }
0xcb: {  	s14 =	simm.s32 $0x1900;
	v3 =	vadd.s32 v1, v3  }
0xcc: {  	[tilespmem:s14], [sflag:$0x1] =	stream.indirect_vreg.gather [hbm4b:s0+s5], $0x80, v4, vm0, $0xb8;
	[tilespmem:$0x18100] =	vst v63  }
0xcd: {  	s15 =	simm.s32 $0x2100  }
0xce: {  	[tilespmem:s15], [sflag:$0x1] =	stream.indirect_vreg.gather [hbm4b:s6+s5], $0x80, v4, vm1, $0xb8;
	[tilespmem:$0x18100] =	vst v63  }
0xcf: {  	s16 =	simm.s32 $0x2500  }
0xd0: {  	[tilespmem:s16], [sflag:$0x1] =	stream.indirect_vreg.gather [hbm4b:s0+s5], $0x80, v3, vm0, $0xb8;
	[tilespmem:$0x18100] =	vst v63  }
0xd1: {  	s18 =	simm.s32 $0x2D00  }
0xd2: {  	[tilespmem:s18], [sflag:$0x1] =	stream.indirect_vreg.gather [hbm4b:s6+s5], $0x80, v3, vm1, $0xb8;
	[tilespmem:$0x18100] =	vst v63  }
0xd3: {  	v3 =	vld [tilespmem:$0xA0];
	_ =	sdelay $0x4  }
0xd4: {  	v26 =	vshrl.u32 v3, $0x3  }
0xd5: {  	v4 =	vmul.u32 $0x18, v26  }
0xd6: {  	v3 =	vand.u32 $0x7, v3  }
0xd7: {  	v3 =	vor.u32 v3, v4  }
0xd8: {  	v4 =	vperm.xlane v3, v0;
	_ =	sdelay $0x1  }
0xd9: {  	v4 =	vadd.s32 v1, v4;
	_ =	sdelay $0x1  }
0xda: {  	v3 =	vperm.xlane v3, v2;
	_ =	sdelay $0x1  }
0xdb: {  	s13 =	simm.s32 $0x3100;
	v3 =	vadd.s32 v1, v3  }
0xdc: {  	[tilespmem:s13], [sflag:$0x1] =	stream.indirect_vreg.gather [hbm4b:s0+s5], $0x80, v4, vm0, $0xb8;
	[tilespmem:$0x18100] =	vst v63  }
0xdd: {  	s14 =	simm.s32 $0x3900  }
0xde: {  	[tilespmem:s14], [sflag:$0x1] =	stream.indirect_vreg.gather [hbm4b:s6+s5], $0x80, v4, vm1, $0xb8;
	[tilespmem:$0x18100] =	vst v63  }
0xdf: {  	s15 =	simm.s32 $0x3D00  }
0xe0: {  	[tilespmem:s15], [sflag:$0x1] =	stream.indirect_vreg.gather [hbm4b:s0+s5], $0x80, v3, vm0, $0xb8;
	[tilespmem:$0x18100] =	vst v63  }
0xe1: {  	s16 =	simm.s32 $0x4500  }
0xe2: {  	[tilespmem:s16], [sflag:$0x1] =	stream.indirect_vreg.gather [hbm4b:s6+s5], $0x80, v3, vm1, $0xb8;
	[tilespmem:$0x18100] =	vst v63  }
0xe3: {  	v3 =	vld [tilespmem:$0xB0];
	_ =	sdelay $0x4  }
0xe4: {  	v27 =	vshrl.u32 v3, $0x3  }
0xe5: {  	v4 =	vmul.u32 $0x18, v27  }
0xe6: {  	v3 =	vand.u32 $0x7, v3  }
0xe7: {  	v3 =	vor.u32 v3, v4  }
0xe8: {  	v4 =	vperm.xlane v3, v0;
	_ =	sdelay $0x1  }
0xe9: {  	v4 =	vadd.s32 v1, v4;
	_ =	sdelay $0x1  }
0xea: {  	v3 =	vperm.xlane v3, v2;
	_ =	sdelay $0x1  }
0xeb: {  	s17 =	simm.s32 $0x4900;
	v3 =	vadd.s32 v1, v3  }
0xec: {  	[tilespmem:s17], [sflag:$0x1] =	stream.indirect_vreg.gather [hbm4b:s0+s5], $0x80, v4, vm0, $0xb8;
	[tilespmem:$0x18100] =	vst v63  }
0xed: {  	s18 =	simm.s32 $0x5100  }
0xee: {  	[tilespmem:s18], [sflag:$0x1] =	stream.indirect_vreg.gather [hbm4b:s6+s5], $0x80, v4, vm1, $0xb8;
	[tilespmem:$0x18100] =	vst v63  }
0xef: {  	s20 =	simm.s32 $0x5500  }
0xf0: {  	[tilespmem:s20], [sflag:$0x1] =	stream.indirect_vreg.gather [hbm4b:s0+s5], $0x80, v3, vm0, $0xb8;
	[tilespmem:$0x18100] =	vst v63  }
0xf1: {  	s12 =	simm.s32 $0x5D00  }
0xf2: {  	[tilespmem:s12], [sflag:$0x1] =	stream.indirect_vreg.gather [hbm4b:s6+s5], $0x80, v3, vm1, $0xb8;
	[tilespmem:$0x18100] =	vst v63  }
0xf3: {  	v3 =	vld [tilespmem:$0xC0];
	_ =	sdelay $0x4  }
0xf4: {  	v28 =	vshrl.u32 v3, $0x3  }
0xf5: {  	v4 =	vmul.u32 $0x18, v28  }
0xf6: {  	v3 =	vand.u32 $0x7, v3  }
0xf7: {  	v3 =	vor.u32 v3, v4  }
0xf8: {  	v4 =	vperm.xlane v3, v0;
	_ =	sdelay $0x1  }
0xf9: {  	v4 =	vadd.s32 v1, v4;
	_ =	sdelay $0x1  }
0xfa: {  	v3 =	vperm.xlane v3, v2;
	_ =	sdelay $0x1  }
0xfb: {  	s13 =	simm.s32 $0x6100;
	v3 =	vadd.s32 v1, v3  }
0xfc: {  	[tilespmem:s13], [sflag:$0x1] =	stream.indirect_vreg.gather [hbm4b:s0+s5], $0x80, v4, vm0, $0xb8;
	[tilespmem:$0x18100] =	vst v63  }
0xfd: {  	s14 =	simm.s32 $0x6900  }
0xfe: {  	[tilespmem:s14], [sflag:$0x1] =	stream.indirect_vreg.gather [hbm4b:s6+s5], $0x80, v4, vm1, $0xb8;
	[tilespmem:$0x18100] =	vst v63  }
0xff: {  	s15 =	simm.s32 $0x6D00  }
0x100: {  	[tilespmem:s15], [sflag:$0x1] =	stream.indirect_vreg.gather [hbm4b:s0+s5], $0x80, v3, vm0, $0xb8;
	[tilespmem:$0x18100] =	vst v63  }
0x101: {  	s16 =	simm.s32 $0x7500  }
0x102: {  	[tilespmem:s16], [sflag:$0x1] =	stream.indirect_vreg.gather [hbm4b:s6+s5], $0x80, v3, vm1, $0xb8;
	[tilespmem:$0x18100] =	vst v63  }
0x103: {  	v3 =	vld [tilespmem:$0xD0];
	_ =	sdelay $0x4  }
0x104: {  	v29 =	vshrl.u32 v3, $0x3  }
0x105: {  	v4 =	vmul.u32 $0x18, v29  }
0x106: {  	v3 =	vand.u32 $0x7, v3  }
0x107: {  	v3 =	vor.u32 v3, v4  }
0x108: {  	v4 =	vperm.xlane v3, v0;
	_ =	sdelay $0x1  }
0x109: {  	v4 =	vadd.s32 v1, v4;
	_ =	sdelay $0x1  }
0x10a: {  	v3 =	vperm.xlane v3, v2;
	_ =	sdelay $0x1  }
0x10b: {  	s17 =	simm.s32 $0x7900;
	v3 =	vadd.s32 v1, v3  }
0x10c: {  	[tilespmem:s17], [sflag:$0x1] =	stream.indirect_vreg.gather [hbm4b:s0+s5], $0x80, v4, vm0, $0xb8;
	[tilespmem:$0x18100] =	vst v63  }
0x10d: {  	s18 =	simm.s32 $0x8100  }
0x10e: {  	[tilespmem:s18], [sflag:$0x1] =	stream.indirect_vreg.gather [hbm4b:s6+s5], $0x80, v4, vm1, $0xb8;
	[tilespmem:$0x18100] =	vst v63  }
0x10f: {  	s20 =	simm.s32 $0x8500  }
0x110: {  	[tilespmem:s20], [sflag:$0x1] =	stream.indirect_vreg.gather [hbm4b:s0+s5], $0x80, v3, vm0, $0xb8;
	[tilespmem:$0x18100] =	vst v63  }
0x111: {  	s12 =	simm.s32 $0x8D00  }
0x112: {  	[tilespmem:s12], [sflag:$0x1] =	stream.indirect_vreg.gather [hbm4b:s6+s5], $0x80, v3, vm1, $0xb8;
	[tilespmem:$0x18100] =	vst v63  }
0x113: {  	v3 =	vld [tilespmem:$0xE0];
	_ =	sdelay $0x4  }
0x114: {  	v30 =	vshrl.u32 v3, $0x3  }
0x115: {  	v4 =	vmul.u32 $0x18, v30  }
0x116: {  	v3 =	vand.u32 $0x7, v3  }
0x117: {  	v3 =	vor.u32 v3, v4  }
0x118: {  	v4 =	vperm.xlane v3, v0;
	_ =	sdelay $0x1  }
0x119: {  	v4 =	vadd.s32 v1, v4;
	_ =	sdelay $0x1  }
0x11a: {  	v3 =	vperm.xlane v3, v2;
	_ =	sdelay $0x1  }
0x11b: {  	s13 =	simm.s32 $0x9100;
	v3 =	vadd.s32 v1, v3  }
0x11c: {  	[tilespmem:s13], [sflag:$0x1] =	stream.indirect_vreg.gather [hbm4b:s0+s5], $0x80, v4, vm0, $0xb8;
	[tilespmem:$0x18100] =	vst v63  }
0x11d: {  	s14 =	simm.s32 $0x9900  }
0x11e: {  	[tilespmem:s14], [sflag:$0x1] =	stream.indirect_vreg.gather [hbm4b:s6+s5], $0x80, v4, vm1, $0xb8;
	[tilespmem:$0x18100] =	vst v63  }
0x11f: {  	s15 =	simm.s32 $0x9D00  }
0x120: {  	[tilespmem:s15], [sflag:$0x1] =	stream.indirect_vreg.gather [hbm4b:s0+s5], $0x80, v3, vm0, $0xb8;
	[tilespmem:$0x18100] =	vst v63  }
0x121: {  	s16 =	simm.s32 $0xA500  }
0x122: {  	[tilespmem:s16], [sflag:$0x1] =	stream.indirect_vreg.gather [hbm4b:s6+s5], $0x80, v3, vm1, $0xb8;
	[tilespmem:$0x18100] =	vst v63  }
0x123: {  	v3 =	vld [tilespmem:$0xF0];
	_ =	sdelay $0x4  }
0x124: {  	v31 =	vshrl.u32 v3, $0x3  }
0x125: {  	v4 =	vmul.u32 $0x18, v31  }
0x126: {  	v3 =	vand.u32 $0x7, v3  }
0x127: {  	v3 =	vor.u32 v3, v4  }
0x128: {  	v4 =	vperm.xlane v3, v0;
	_ =	sdelay $0x1  }
0x129: {  	v4 =	vadd.s32 v1, v4;
	_ =	sdelay $0x1  }
0x12a: {  	v3 =	vperm.xlane v3, v2;
	_ =	sdelay $0x1  }
0x12b: {  	s17 =	simm.s32 $0xA900;
	v3 =	vadd.s32 v1, v3  }
0x12c: {  	[tilespmem:s17], [sflag:$0x1] =	stream.indirect_vreg.gather [hbm4b:s0+s5], $0x80, v4, vm0, $0xb8;
	[tilespmem:$0x18100] =	vst v63  }
0x12d: {  	s18 =	simm.s32 $0xB100  }
0x12e: {  	[tilespmem:s18], [sflag:$0x1] =	stream.indirect_vreg.gather [hbm4b:s6+s5], $0x80, v4, vm1, $0xb8;
	[tilespmem:$0x18100] =	vst v63  }
0x12f: {  	s20 =	simm.s32 $0xB500  }
0x130: {  	[tilespmem:s20], [sflag:$0x1] =	stream.indirect_vreg.gather [hbm4b:s0+s5], $0x80, v3, vm0, $0xb8;
	[tilespmem:$0x18100] =	vst v63  }
0x131: {  	s12 =	simm.s32 $0xBD00  }
0x132: {  	[tilespmem:s12], [sflag:$0x1] =	stream.indirect_vreg.gather [hbm4b:s6+s5], $0x80, v3, vm1, $0xb8;
	[tilespmem:$0x18100] =	vst v63  }
0x133: {  	_ =	swait.ge [sflag:s3], $0x9000  }
0x134: {  	[sflag:s3] =	ssyncset.done $0x0  }
0x135: {  	s13 =	rddreg [dreg:$0xe];
	[sflag:s3] =	ssyncadd.s32 $0xFFFF7000  }
0x136: {  	[hbm4b:s13+s5] =	stream.linear.scatter [tilespmem:s22], [sflag:$0x4], $0x9000, $0x38;
	[tilespmem:$0x18100] =	vst v63  }
0x137: {  	s14 =	rddreg [dreg:$0xf]  }
0x138: {  	[hbm4b:s14+s5] =	stream.linear.scatter [tilespmem:s22], [sflag:$0x4], $0x9000, $0x38;
	[tilespmem:$0x18100] =	vst v63  }
0x139: {  	_ =	swait.ge [sflag:s4], $0x9000  }
0x13a: {  	[sflag:s4] =	ssyncset.done $0x0  }
0x13b: {  	[sflag:s4] =	ssyncadd.s32 $0xFFFF7000  }
0x13c: {  	_ =	swait.ge [sflag:s4], $0x9000  }
0x13d: {  	[sflag:s4] =	ssyncset.done $0x0  }
0x13e: {  	[sflag:s4] =	ssyncadd.s32 $0xFFFF7000  }
0x13f: {  	v3 =	vld [tilespmem:$0x0];
	_ =	sdelay $0x4  }
0x140: {  	v32 =	vshrl.u32 v3, $0x3  }
0x141: {  	v4 =	vmul.u32 $0x18, v32  }
0x142: {  	v3 =	vand.u32 $0x7, v3  }
0x143: {  	v3 =	vor.u32 v3, v4  }
0x144: {  	v4 =	vperm.xlane v3, v0;
	_ =	sdelay $0x1  }
0x145: {  	v4 =	vadd.s32 v1, v4;
	_ =	sdelay $0x1  }
0x146: {  	v3 =	vperm.xlane v3, v2;
	_ =	sdelay $0x1  }
0x147: {  	v3 =	vadd.s32 v1, v3  }
0x148: {  	[tilespmem:s22], [sflag:$0x2] =	stream.indirect_vreg.gather [hbm4b:s1+s5], $0x80, v4, vm0, $0xb8;
	[tilespmem:$0x18100] =	vst v63  }
0x149: {  	s15 =	simm.s32 $0xC900  }
0x14a: {  	[tilespmem:s15], [sflag:$0x2] =	stream.indirect_vreg.gather [hbm4b:s7+s5], $0x80, v4, vm1, $0xb8;
	[tilespmem:$0x18100] =	vst v63  }
0x14b: {  	s16 =	simm.s32 $0xCD00  }
0x14c: {  	[tilespmem:s16], [sflag:$0x2] =	stream.indirect_vreg.gather [hbm4b:s1+s5], $0x80, v3, vm0, $0xb8;
	[tilespmem:$0x18100] =	vst v63  }
0x14d: {  	s25 =	simm.s32 $0xD500  }
0x14e: {  	[tilespmem:s25], [sflag:$0x2] =	stream.indirect_vreg.gather [hbm4b:s7+s5], $0x80, v3, vm1, $0xb8;
	[tilespmem:$0x18100] =	vst v63  }
0x14f: {  	v3 =	vld [tilespmem:$0x10];
	_ =	sdelay $0x4  }
0x150: {  	v33 =	vshrl.u32 v3, $0x3  }
0x151: {  	v4 =	vmul.u32 $0x18, v33  }
0x152: {  	v3 =	vand.u32 $0x7, v3  }
0x153: {  	v3 =	vor.u32 v3, v4  }
0x154: {  	v4 =	vperm.xlane v3, v0;
	_ =	sdelay $0x1  }
0x155: {  	v4 =	vadd.s32 v1, v4;
	_ =	sdelay $0x1  }
0x156: {  	v3 =	vperm.xlane v3, v2;
	_ =	sdelay $0x1  }
0x157: {  	s17 =	simm.s32 $0xD900;
	v3 =	vadd.s32 v1, v3  }
0x158: {  	[tilespmem:s17], [sflag:$0x2] =	stream.indirect_vreg.gather [hbm4b:s1+s5], $0x80, v4, vm0, $0xb8;
	[tilespmem:$0x18100] =	vst v63  }
0x159: {  	s18 =	simm.s32 $0xE100  }
0x15a: {  	[tilespmem:s18], [sflag:$0x2] =	stream.indirect_vreg.gather [hbm4b:s7+s5], $0x80, v4, vm1, $0xb8;
	[tilespmem:$0x18100] =	vst v63  }
0x15b: {  	s20 =	simm.s32 $0xE500  }
0x15c: {  	[tilespmem:s20], [sflag:$0x2] =	stream.indirect_vreg.gather [hbm4b:s1+s5], $0x80, v3, vm0, $0xb8;
	[tilespmem:$0x18100] =	vst v63  }
0x15d: {  	s26 =	simm.s32 $0xED00  }
0x15e: {  	[tilespmem:s26], [sflag:$0x2] =	stream.indirect_vreg.gather [hbm4b:s7+s5], $0x80, v3, vm1, $0xb8;
	[tilespmem:$0x18100] =	vst v63  }
0x15f: {  	v3 =	vld [tilespmem:$0x20];
	_ =	sdelay $0x4  }
0x160: {  	v34 =	vshrl.u32 v3, $0x3  }
0x161: {  	v4 =	vmul.u32 $0x18, v34  }
0x162: {  	v3 =	vand.u32 $0x7, v3  }
0x163: {  	v3 =	vor.u32 v3, v4  }
0x164: {  	v4 =	vperm.xlane v3, v0;
	_ =	sdelay $0x1  }
0x165: {  	v4 =	vadd.s32 v1, v4;
	_ =	sdelay $0x1  }
0x166: {  	v3 =	vperm.xlane v3, v2;
	_ =	sdelay $0x1  }
0x167: {  	s25 =	simm.s32 $0xF100;
	v3 =	vadd.s32 v1, v3  }
0x168: {  	[tilespmem:s25], [sflag:$0x2] =	stream.indirect_vreg.gather [hbm4b:s1+s5], $0x80, v4, vm0, $0xb8;
	[tilespmem:$0x18100] =	vst v63  }
0x169: {  	s26 =	simm.s32 $0xF900  }
0x16a: {  	[tilespmem:s26], [sflag:$0x2] =	stream.indirect_vreg.gather [hbm4b:s7+s5], $0x80, v4, vm1, $0xb8;
	[tilespmem:$0x18100] =	vst v63  }
0x16b: {  	s12 =	simm.s32 $0xFD00  }
0x16c: {  	[tilespmem:s12], [sflag:$0x2] =	stream.indirect_vreg.gather [hbm4b:s1+s5], $0x80, v3, vm0, $0xb8;
	[tilespmem:$0x18100] =	vst v63  }
0x16d: {  	s19 =	simm.s32 $0x10500  }
0x16e: {  	[tilespmem:s19], [sflag:$0x2] =	stream.indirect_vreg.gather [hbm4b:s7+s5], $0x80, v3, vm1, $0xb8;
	[tilespmem:$0x18100] =	vst v63  }
0x16f: {  	v3 =	vld [tilespmem:$0x30];
	_ =	sdelay $0x4  }
0x170: {  	v35 =	vshrl.u32 v3, $0x3  }
0x171: {  	v4 =	vmul.u32 $0x18, v35  }
0x172: {  	v3 =	vand.u32 $0x7, v3  }
0x173: {  	v3 =	vor.u32 v3, v4  }
0x174: {  	v4 =	vperm.xlane v3, v0;
	_ =	sdelay $0x1  }
0x175: {  	v4 =	vadd.s32 v1, v4;
	_ =	sdelay $0x1  }
0x176: {  	v3 =	vperm.xlane v3, v2;
	_ =	sdelay $0x1  }
0x177: {  	s13 =	simm.s32 $0x10900;
	v3 =	vadd.s32 v1, v3  }
0x178: {  	[tilespmem:s13], [sflag:$0x2] =	stream.indirect_vreg.gather [hbm4b:s1+s5], $0x80, v4, vm0, $0xb8;
	[tilespmem:$0x18100] =	vst v63  }
0x179: {  	s14 =	simm.s32 $0x11100  }
0x17a: {  	[tilespmem:s14], [sflag:$0x2] =	stream.indirect_vreg.gather [hbm4b:s7+s5], $0x80, v4, vm1, $0xb8;
	[tilespmem:$0x18100] =	vst v63  }
0x17b: {  	s15 =	simm.s32 $0x11500  }
0x17c: {  	[tilespmem:s15], [sflag:$0x2] =	stream.indirect_vreg.gather [hbm4b:s1+s5], $0x80, v3, vm0, $0xb8;
	[tilespmem:$0x18100] =	vst v63  }
0x17d: {  	s21 =	simm.s32 $0x11D00  }
0x17e: {  	[tilespmem:s21], [sflag:$0x2] =	stream.indirect_vreg.gather [hbm4b:s7+s5], $0x80, v3, vm1, $0xb8;
	[tilespmem:$0x18100] =	vst v63  }
0x17f: {  	v3 =	vld [tilespmem:$0x40];
	_ =	sdelay $0x4  }
0x180: {  	v36 =	vshrl.u32 v3, $0x3  }
0x181: {  	v4 =	vmul.u32 $0x18, v36  }
0x182: {  	v3 =	vand.u32 $0x7, v3  }
0x183: {  	v3 =	vor.u32 v3, v4  }
0x184: {  	v4 =	vperm.xlane v3, v0;
	_ =	sdelay $0x1  }
0x185: {  	v4 =	vadd.s32 v1, v4;
	_ =	sdelay $0x1  }
0x186: {  	v3 =	vperm.xlane v3, v2;
	_ =	sdelay $0x1  }
0x187: {  	s28 =	simm.s32 $0x12100;
	v3 =	vadd.s32 v1, v3  }
0x188: {  	[tilespmem:s28], [sflag:$0x2] =	stream.indirect_vreg.gather [hbm4b:s1+s5], $0x80, v4, vm0, $0xb8;
	[tilespmem:$0x18100] =	vst v63  }
0x189: {  	s29 =	simm.s32 $0x12900  }
0x18a: {  	[tilespmem:s29], [sflag:$0x2] =	stream.indirect_vreg.gather [hbm4b:s7+s5], $0x80, v4, vm1, $0xb8;
	[tilespmem:$0x18100] =	vst v63  }
0x18b: {  	s16 =	simm.s32 $0x12D00  }
0x18c: {  	[tilespmem:s16], [sflag:$0x2] =	stream.indirect_vreg.gather [hbm4b:s1+s5], $0x80, v3, vm0, $0xb8;
	[tilespmem:$0x18100] =	vst v63  }
0x18d: {  	s23 =	simm.s32 $0x13500  }
0x18e: {  	[tilespmem:s23], [sflag:$0x2] =	stream.indirect_vreg.gather [hbm4b:s7+s5], $0x80, v3, vm1, $0xb8;
	[tilespmem:$0x18100] =	vst v63  }
0x18f: {  	v3 =	vld [tilespmem:$0x50];
	_ =	sdelay $0x4  }
0x190: {  	v37 =	vshrl.u32 v3, $0x3  }
0x191: {  	v4 =	vmul.u32 $0x18, v37  }
0x192: {  	v3 =	vand.u32 $0x7, v3  }
0x193: {  	v3 =	vor.u32 v3, v4  }
0x194: {  	v4 =	vperm.xlane v3, v0;
	_ =	sdelay $0x1  }
0x195: {  	v4 =	vadd.s32 v1, v4;
	_ =	sdelay $0x1  }
0x196: {  	v3 =	vperm.xlane v3, v2;
	_ =	sdelay $0x1  }
0x197: {  	s17 =	simm.s32 $0x13900;
	v3 =	vadd.s32 v1, v3  }
0x198: {  	[tilespmem:s17], [sflag:$0x2] =	stream.indirect_vreg.gather [hbm4b:s1+s5], $0x80, v4, vm0, $0xb8;
	[tilespmem:$0x18100] =	vst v63  }
0x199: {  	s18 =	simm.s32 $0x14100  }
0x19a: {  	[tilespmem:s18], [sflag:$0x2] =	stream.indirect_vreg.gather [hbm4b:s7+s5], $0x80, v4, vm1, $0xb8;
	[tilespmem:$0x18100] =	vst v63  }
0x19b: {  	s19 =	simm.s32 $0x14500  }
0x19c: {  	[tilespmem:s19], [sflag:$0x2] =	stream.indirect_vreg.gather [hbm4b:s1+s5], $0x80, v3, vm0, $0xb8;
	[tilespmem:$0x18100] =	vst v63  }
0x19d: {  	s24 =	simm.s32 $0x14D00  }
0x19e: {  	[tilespmem:s24], [sflag:$0x2] =	stream.indirect_vreg.gather [hbm4b:s7+s5], $0x80, v3, vm1, $0xb8;
	[tilespmem:$0x18100] =	vst v63  }
0x19f: {  	v3 =	vld [tilespmem:$0x60];
	_ =	sdelay $0x4  }
0x1a0: {  	v38 =	vshrl.u32 v3, $0x3  }
0x1a1: {  	v4 =	vmul.u32 $0x18, v38  }
0x1a2: {  	v3 =	vand.u32 $0x7, v3  }
0x1a3: {  	v3 =	vor.u32 v3, v4  }
0x1a4: {  	v4 =	vperm.xlane v3, v0;
	_ =	sdelay $0x1  }
0x1a5: {  	v4 =	vadd.s32 v1, v4;
	_ =	sdelay $0x1  }
0x1a6: {  	v3 =	vperm.xlane v3, v2;
	_ =	sdelay $0x1  }
0x1a7: {  	s12 =	simm.s32 $0x15100;
	v3 =	vadd.s32 v1, v3  }
0x1a8: {  	[tilespmem:s12], [sflag:$0x2] =	stream.indirect_vreg.gather [hbm4b:s1+s5], $0x80, v4, vm0, $0xb8;
	[tilespmem:$0x18100] =	vst v63  }
0x1a9: {  	s13 =	simm.s32 $0x15900  }
0x1aa: {  	[tilespmem:s13], [sflag:$0x2] =	stream.indirect_vreg.gather [hbm4b:s7+s5], $0x80, v4, vm1, $0xb8;
	[tilespmem:$0x18100] =	vst v63  }
0x1ab: {  	s14 =	simm.s32 $0x15D00  }
0x1ac: {  	[tilespmem:s14], [sflag:$0x2] =	stream.indirect_vreg.gather [hbm4b:s1+s5], $0x80, v3, vm0, $0xb8;
	[tilespmem:$0x18100] =	vst v63  }
0x1ad: {  	s15 =	simm.s32 $0x16500  }
0x1ae: {  	[tilespmem:s15], [sflag:$0x2] =	stream.indirect_vreg.gather [hbm4b:s7+s5], $0x80, v3, vm1, $0xb8;
	[tilespmem:$0x18100] =	vst v63  }
0x1af: {  	v3 =	vld [tilespmem:$0x70];
	_ =	sdelay $0x4  }
0x1b0: {  	v39 =	vshrl.u32 v3, $0x3  }
0x1b1: {  	v4 =	vmul.u32 $0x18, v39  }
0x1b2: {  	v3 =	vand.u32 $0x7, v3  }
0x1b3: {  	v3 =	vor.u32 v3, v4  }
0x1b4: {  	v4 =	vperm.xlane v3, v0;
	_ =	sdelay $0x1  }
0x1b5: {  	v4 =	vadd.s32 v1, v4;
	_ =	sdelay $0x1  }
0x1b6: {  	v3 =	vperm.xlane v3, v2;
	_ =	sdelay $0x1  }
0x1b7: {  	s16 =	simm.s32 $0x16900;
	v3 =	vadd.s32 v1, v3  }
0x1b8: {  	[tilespmem:s16], [sflag:$0x2] =	stream.indirect_vreg.gather [hbm4b:s1+s5], $0x80, v4, vm0, $0xb8;
	[tilespmem:$0x18100] =	vst v63  }
0x1b9: {  	s17 =	simm.s32 $0x17100  }
0x1ba: {  	[tilespmem:s17], [sflag:$0x2] =	stream.indirect_vreg.gather [hbm4b:s7+s5], $0x80, v4, vm1, $0xb8;
	[tilespmem:$0x18100] =	vst v63  }
0x1bb: {  	s18 =	simm.s32 $0x17500  }
0x1bc: {  	[tilespmem:s18], [sflag:$0x2] =	stream.indirect_vreg.gather [hbm4b:s1+s5], $0x80, v3, vm0, $0xb8;
	[tilespmem:$0x18100] =	vst v63  }
0x1bd: {  	s19 =	simm.s32 $0x17D00  }
0x1be: {  	[tilespmem:s19], [sflag:$0x2] =	stream.indirect_vreg.gather [hbm4b:s7+s5], $0x80, v3, vm1, $0xb8;
	[tilespmem:$0x18100] =	vst v63  }
0x1bf: {  	_ =	swait.ge [sflag:s30], $0xC000  }
0x1c0: {  	[sflag:s30] =	ssyncset.done $0x0  }
0x1c1: {  	s20 =	rddreg [dreg:$0x10];
	[sflag:s30] =	ssyncadd.s32 $0xFFFF4000  }
0x1c2: {  	[hbm4b:s20+s5] =	stream.linear.scatter [tilespmem:s11], [sflag:$0x3], $0xC000, $0x38;
	[tilespmem:$0x18100] =	vst v63  }
0x1c3: {  	s24 =	rddreg [dreg:$0x11]  }
0x1c4: {  	[hbm4b:s24+s5] =	stream.linear.scatter [tilespmem:s11], [sflag:$0x3], $0xC000, $0x38;
	[tilespmem:$0x18100] =	vst v63  }
0x1c5: {  	_ =	swait.ge [sflag:s31], $0xC000  }
0x1c6: {  	[sflag:s31] =	ssyncset.done $0x0  }
0x1c7: {  	[sflag:s31] =	ssyncadd.s32 $0xFFFF4000  }
0x1c8: {  	_ =	swait.ge [sflag:s31], $0xC000  }
0x1c9: {  	[sflag:s31] =	ssyncset.done $0x0  }
0x1ca: {  	[sflag:s31] =	ssyncadd.s32 $0xFFFF4000  }
0x1cb: {  	v3 =	vld [tilespmem:$0x80];
	_ =	sdelay $0x4  }
0x1cc: {  	v40 =	vshrl.u32 v3, $0x3  }
0x1cd: {  	v4 =	vmul.u32 $0x18, v40  }
0x1ce: {  	v3 =	vand.u32 $0x7, v3  }
0x1cf: {  	v3 =	vor.u32 v3, v4  }
0x1d0: {  	v4 =	vperm.xlane v3, v0;
	_ =	sdelay $0x1  }
0x1d1: {  	v4 =	vadd.s32 v1, v4;
	_ =	sdelay $0x1  }
0x1d2: {  	v3 =	vperm.xlane v3, v2;
	_ =	sdelay $0x1  }
0x1d3: {  	v3 =	vadd.s32 v1, v3  }
0x1d4: {  	[tilespmem:s11], [sflag:$0x1] =	stream.indirect_vreg.gather [hbm4b:s1+s5], $0x80, v4, vm0, $0xb8;
	[tilespmem:$0x18100] =	vst v63  }
0x1d5: {  	s20 =	simm.s32 $0x900  }
0x1d6: {  	[tilespmem:s20], [sflag:$0x1] =	stream.indirect_vreg.gather [hbm4b:s7+s5], $0x80, v4, vm1, $0xb8;
	[tilespmem:$0x18100] =	vst v63  }
0x1d7: {  	s24 =	simm.s32 $0xD00  }
0x1d8: {  	[tilespmem:s24], [sflag:$0x1] =	stream.indirect_vreg.gather [hbm4b:s1+s5], $0x80, v3, vm0, $0xb8;
	[tilespmem:$0x18100] =	vst v63  }
0x1d9: {  	s20 =	simm.s32 $0x1500  }
0x1da: {  	[tilespmem:s20], [sflag:$0x1] =	stream.indirect_vreg.gather [hbm4b:s7+s5], $0x80, v3, vm1, $0xb8;
	[tilespmem:$0x18100] =	vst v63  }
0x1db: {  	v3 =	vld [tilespmem:$0x90];
	_ =	sdelay $0x4  }
0x1dc: {  	v41 =	vshrl.u32 v3, $0x3  }
0x1dd: {  	v4 =	vmul.u32 $0x18, v41  }
0x1de: {  	v3 =	vand.u32 $0x7, v3  }
0x1df: {  	v3 =	vor.u32 v3, v4  }
0x1e0: {  	v4 =	vperm.xlane v3, v0;
	_ =	sdelay $0x1  }
0x1e1: {  	v4 =	vadd.s32 v1, v4;
	_ =	sdelay $0x1  }
0x1e2: {  	v3 =	vperm.xlane v3, v2;
	_ =	sdelay $0x1  }
0x1e3: {  	s24 =	simm.s32 $0x1900;
	v3 =	vadd.s32 v1, v3  }
0x1e4: {  	[tilespmem:s24], [sflag:$0x1] =	stream.indirect_vreg.gather [hbm4b:s1+s5], $0x80, v4, vm0, $0xb8;
	[tilespmem:$0x18100] =	vst v63  }
0x1e5: {  	s20 =	simm.s32 $0x2100  }
0x1e6: {  	[tilespmem:s20], [sflag:$0x1] =	stream.indirect_vreg.gather [hbm4b:s7+s5], $0x80, v4, vm1, $0xb8;
	[tilespmem:$0x18100] =	vst v63  }
0x1e7: {  	s24 =	simm.s32 $0x2500  }
0x1e8: {  	[tilespmem:s24], [sflag:$0x1] =	stream.indirect_vreg.gather [hbm4b:s1+s5], $0x80, v3, vm0, $0xb8;
	[tilespmem:$0x18100] =	vst v63  }
0x1e9: {  	s20 =	simm.s32 $0x2D00  }
0x1ea: {  	[tilespmem:s20], [sflag:$0x1] =	stream.indirect_vreg.gather [hbm4b:s7+s5], $0x80, v3, vm1, $0xb8;
	[tilespmem:$0x18100] =	vst v63  }
0x1eb: {  	v3 =	vld [tilespmem:$0xA0];
	_ =	sdelay $0x4  }
0x1ec: {  	v42 =	vshrl.u32 v3, $0x3  }
0x1ed: {  	v4 =	vmul.u32 $0x18, v42  }
0x1ee: {  	v3 =	vand.u32 $0x7, v3  }
0x1ef: {  	v3 =	vor.u32 v3, v4  }
0x1f0: {  	v4 =	vperm.xlane v3, v0;
	_ =	sdelay $0x1  }
0x1f1: {  	v4 =	vadd.s32 v1, v4;
	_ =	sdelay $0x1  }
0x1f2: {  	v3 =	vperm.xlane v3, v2;
	_ =	sdelay $0x1  }
0x1f3: {  	s24 =	simm.s32 $0x3100;
	v3 =	vadd.s32 v1, v3  }
0x1f4: {  	[tilespmem:s24], [sflag:$0x1] =	stream.indirect_vreg.gather [hbm4b:s1+s5], $0x80, v4, vm0, $0xb8;
	[tilespmem:$0x18100] =	vst v63  }
0x1f5: {  	s20 =	simm.s32 $0x3900  }
0x1f6: {  	[tilespmem:s20], [sflag:$0x1] =	stream.indirect_vreg.gather [hbm4b:s7+s5], $0x80, v4, vm1, $0xb8;
	[tilespmem:$0x18100] =	vst v63  }
0x1f7: {  	s20 =	simm.s32 $0x3D00  }
0x1f8: {  	[tilespmem:s20], [sflag:$0x1] =	stream.indirect_vreg.gather [hbm4b:s1+s5], $0x80, v3, vm0, $0xb8;
	[tilespmem:$0x18100] =	vst v63  }
0x1f9: {  	s20 =	simm.s32 $0x4500  }
0x1fa: {  	[tilespmem:s20], [sflag:$0x1] =	stream.indirect_vreg.gather [hbm4b:s7+s5], $0x80, v3, vm1, $0xb8;
	[tilespmem:$0x18100] =	vst v63  }
0x1fb: {  	v3 =	vld [tilespmem:$0xB0];
	_ =	sdelay $0x4  }
0x1fc: {  	v43 =	vshrl.u32 v3, $0x3  }
0x1fd: {  	v4 =	vmul.u32 $0x18, v43  }
0x1fe: {  	v3 =	vand.u32 $0x7, v3  }
0x1ff: {  	v3 =	vor.u32 v3, v4  }
0x200: {  	v4 =	vperm.xlane v3, v0;
	_ =	sdelay $0x1  }
0x201: {  	v4 =	vadd.s32 v1, v4;
	_ =	sdelay $0x1  }
0x202: {  	v3 =	vperm.xlane v3, v2;
	_ =	sdelay $0x1  }
0x203: {  	s20 =	simm.s32 $0x4900;
	v3 =	vadd.s32 v1, v3  }
0x204: {  	[tilespmem:s20], [sflag:$0x1] =	stream.indirect_vreg.gather [hbm4b:s1+s5], $0x80, v4, vm0, $0xb8;
	[tilespmem:$0x18100] =	vst v63  }
0x205: {  	s20 =	simm.s32 $0x5100  }
0x206: {  	[tilespmem:s20], [sflag:$0x1] =	stream.indirect_vreg.gather [hbm4b:s7+s5], $0x80, v4, vm1, $0xb8;
	[tilespmem:$0x18100] =	vst v63  }
0x207: {  	s20 =	simm.s32 $0x5500  }
0x208: {  	[tilespmem:s20], [sflag:$0x1] =	stream.indirect_vreg.gather [hbm4b:s1+s5], $0x80, v3, vm0, $0xb8;
	[tilespmem:$0x18100] =	vst v63  }
0x209: {  	s20 =	simm.s32 $0x5D00  }
0x20a: {  	[tilespmem:s20], [sflag:$0x1] =	stream.indirect_vreg.gather [hbm4b:s7+s5], $0x80, v3, vm1, $0xb8;
	[tilespmem:$0x18100] =	vst v63  }
0x20b: {  	v3 =	vld [tilespmem:$0xC0];
	_ =	sdelay $0x4  }
0x20c: {  	v44 =	vshrl.u32 v3, $0x3  }
0x20d: {  	v4 =	vmul.u32 $0x18, v44  }
0x20e: {  	v3 =	vand.u32 $0x7, v3  }
0x20f: {  	v3 =	vor.u32 v3, v4  }
0x210: {  	v4 =	vperm.xlane v3, v0;
	_ =	sdelay $0x1  }
0x211: {  	v4 =	vadd.s32 v1, v4;
	_ =	sdelay $0x1  }
0x212: {  	v3 =	vperm.xlane v3, v2;
	_ =	sdelay $0x1  }
0x213: {  	s20 =	simm.s32 $0x6100;
	v3 =	vadd.s32 v1, v3  }
0x214: {  	[tilespmem:s20], [sflag:$0x1] =	stream.indirect_vreg.gather [hbm4b:s1+s5], $0x80, v4, vm0, $0xb8;
	[tilespmem:$0x18100] =	vst v63  }
0x215: {  	s20 =	simm.s32 $0x6900  }
0x216: {  	[tilespmem:s20], [sflag:$0x1] =	stream.indirect_vreg.gather [hbm4b:s7+s5], $0x80, v4, vm1, $0xb8;
	[tilespmem:$0x18100] =	vst v63  }
0x217: {  	s20 =	simm.s32 $0x6D00  }
0x218: {  	[tilespmem:s20], [sflag:$0x1] =	stream.indirect_vreg.gather [hbm4b:s1+s5], $0x80, v3, vm0, $0xb8;
	[tilespmem:$0x18100] =	vst v63  }
0x219: {  	s20 =	simm.s32 $0x7500  }
0x21a: {  	[tilespmem:s20], [sflag:$0x1] =	stream.indirect_vreg.gather [hbm4b:s7+s5], $0x80, v3, vm1, $0xb8;
	[tilespmem:$0x18100] =	vst v63  }
0x21b: {  	v3 =	vld [tilespmem:$0xD0];
	_ =	sdelay $0x4  }
0x21c: {  	v45 =	vshrl.u32 v3, $0x3  }
0x21d: {  	v4 =	vmul.u32 $0x18, v45  }
0x21e: {  	v3 =	vand.u32 $0x7, v3  }
0x21f: {  	v3 =	vor.u32 v3, v4  }
0x220: {  	v4 =	vperm.xlane v3, v0;
	_ =	sdelay $0x1  }
0x221: {  	v4 =	vadd.s32 v1, v4;
	_ =	sdelay $0x1  }
0x222: {  	v3 =	vperm.xlane v3, v2;
	_ =	sdelay $0x1  }
0x223: {  	s20 =	simm.s32 $0x7900;
	v3 =	vadd.s32 v1, v3  }
0x224: {  	[tilespmem:s20], [sflag:$0x1] =	stream.indirect_vreg.gather [hbm4b:s1+s5], $0x80, v4, vm0, $0xb8;
	[tilespmem:$0x18100] =	vst v63  }
0x225: {  	s20 =	simm.s32 $0x8100  }
0x226: {  	[tilespmem:s20], [sflag:$0x1] =	stream.indirect_vreg.gather [hbm4b:s7+s5], $0x80, v4, vm1, $0xb8;
	[tilespmem:$0x18100] =	vst v63  }
0x227: {  	s20 =	simm.s32 $0x8500  }
0x228: {  	[tilespmem:s20], [sflag:$0x1] =	stream.indirect_vreg.gather [hbm4b:s1+s5], $0x80, v3, vm0, $0xb8;
	[tilespmem:$0x18100] =	vst v63  }
0x229: {  	s20 =	simm.s32 $0x8D00  }
0x22a: {  	[tilespmem:s20], [sflag:$0x1] =	stream.indirect_vreg.gather [hbm4b:s7+s5], $0x80, v3, vm1, $0xb8;
	[tilespmem:$0x18100] =	vst v63  }
0x22b: {  	v3 =	vld [tilespmem:$0xE0];
	_ =	sdelay $0x4  }
0x22c: {  	v46 =	vshrl.u32 v3, $0x3  }
0x22d: {  	v4 =	vmul.u32 $0x18, v46  }
0x22e: {  	v3 =	vand.u32 $0x7, v3  }
0x22f: {  	v3 =	vor.u32 v3, v4  }
0x230: {  	v4 =	vperm.xlane v3, v0;
	_ =	sdelay $0x1  }
0x231: {  	v4 =	vadd.s32 v1, v4;
	_ =	sdelay $0x1  }
0x232: {  	v3 =	vperm.xlane v3, v2;
	_ =	sdelay $0x1  }
0x233: {  	s20 =	simm.s32 $0x9100;
	v3 =	vadd.s32 v1, v3  }
0x234: {  	[tilespmem:s20], [sflag:$0x1] =	stream.indirect_vreg.gather [hbm4b:s1+s5], $0x80, v4, vm0, $0xb8;
	[tilespmem:$0x18100] =	vst v63  }
0x235: {  	s20 =	simm.s32 $0x9900  }
0x236: {  	[tilespmem:s20], [sflag:$0x1] =	stream.indirect_vreg.gather [hbm4b:s7+s5], $0x80, v4, vm1, $0xb8;
	[tilespmem:$0x18100] =	vst v63  }
0x237: {  	s20 =	simm.s32 $0x9D00  }
0x238: {  	[tilespmem:s20], [sflag:$0x1] =	stream.indirect_vreg.gather [hbm4b:s1+s5], $0x80, v3, vm0, $0xb8;
	[tilespmem:$0x18100] =	vst v63  }
0x239: {  	s20 =	simm.s32 $0xA500  }
0x23a: {  	[tilespmem:s20], [sflag:$0x1] =	stream.indirect_vreg.gather [hbm4b:s7+s5], $0x80, v3, vm1, $0xb8;
	[tilespmem:$0x18100] =	vst v63  }
0x23b: {  	v3 =	vld [tilespmem:$0xF0];
	_ =	sdelay $0x4  }
0x23c: {  	v47 =	vshrl.u32 v3, $0x3  }
0x23d: {  	v4 =	vmul.u32 $0x18, v47  }
0x23e: {  	v3 =	vand.u32 $0x7, v3  }
0x23f: {  	v3 =	vor.u32 v3, v4  }
0x240: {  	v4 =	vperm.xlane v3, v0;
	_ =	sdelay $0x1  }
0x241: {  	v4 =	vadd.s32 v1, v4;
	_ =	sdelay $0x1  }
0x242: {  	v3 =	vperm.xlane v3, v2;
	_ =	sdelay $0x1  }
0x243: {  	s20 =	simm.s32 $0xA900;
	v3 =	vadd.s32 v1, v3  }
0x244: {  	[tilespmem:s20], [sflag:$0x1] =	stream.indirect_vreg.gather [hbm4b:s1+s5], $0x80, v4, vm0, $0xb8;
	[tilespmem:$0x18100] =	vst v63  }
0x245: {  	s20 =	simm.s32 $0xB100  }
0x246: {  	[tilespmem:s20], [sflag:$0x1] =	stream.indirect_vreg.gather [hbm4b:s7+s5], $0x80, v4, vm1, $0xb8;
	[tilespmem:$0x18100] =	vst v63  }
0x247: {  	s20 =	simm.s32 $0xB500  }
0x248: {  	[tilespmem:s20], [sflag:$0x1] =	stream.indirect_vreg.gather [hbm4b:s1+s5], $0x80, v3, vm0, $0xb8;
	[tilespmem:$0x18100] =	vst v63  }
0x249: {  	s20 =	simm.s32 $0xBD00  }
0x24a: {  	[tilespmem:s20], [sflag:$0x1] =	stream.indirect_vreg.gather [hbm4b:s7+s5], $0x80, v3, vm1, $0xb8;
	[tilespmem:$0x18100] =	vst v63  }
0x24b: {  	_ =	swait.ge [sflag:s3], $0xC000  }
0x24c: {  	[sflag:s3] =	ssyncset.done $0x0  }
0x24d: {  	s10 =	rddreg [dreg:$0x12];
	[sflag:s3] =	ssyncadd.s32 $0xFFFF4000  }
0x24e: {  	[hbm4b:s10+s5] =	stream.linear.scatter [tilespmem:s22], [sflag:$0x4], $0xC000, $0x38;
	[tilespmem:$0x18100] =	vst v63  }
0x24f: {  	s20 =	rddreg [dreg:$0x13]  }
0x250: {  	[hbm4b:s20+s5] =	stream.linear.scatter [tilespmem:s22], [sflag:$0x4], $0xC000, $0x38;
	[tilespmem:$0x18100] =	vst v63  }
0x251: {  	_ =	swait.ge [sflag:s4], $0xC000  }
0x252: {  	[sflag:s4] =	ssyncset.done $0x0  }
0x253: {  	[sflag:s4] =	ssyncadd.s32 $0xFFFF4000  }
0x254: {  	_ =	swait.ge [sflag:s4], $0xC000  }
0x255: {  	[sflag:s4] =	ssyncset.done $0x0  }
0x256: {  	[sflag:s4] =	ssyncadd.s32 $0xFFFF4000  }
0x257: {  	v3 =	vld [tilespmem:$0x0];
	_ =	sdelay $0x4  }
0x258: {  	v48 =	vshrl.u32 v3, $0x3  }
0x259: {  	v4 =	vmul.u32 $0x18, v48  }
0x25a: {  	v3 =	vand.u32 $0x7, v3  }
0x25b: {  	v3 =	vor.u32 v3, v4  }
0x25c: {  	v4 =	vperm.xlane v3, v0;
	_ =	sdelay $0x1  }
0x25d: {  	v4 =	vadd.s32 v1, v4;
	_ =	sdelay $0x1  }
0x25e: {  	v3 =	vperm.xlane v3, v2;
	_ =	sdelay $0x1  }
0x25f: {  	v3 =	vadd.s32 v1, v3  }
0x260: {  	[tilespmem:s22], [sflag:$0x2] =	stream.indirect_vreg.gather [hbm4b:s2+s5], $0x80, v4, vm0, $0xb8;
	[tilespmem:$0x18100] =	vst v63  }
0x261: {  	s20 =	simm.s32 $0xC900  }
0x262: {  	[tilespmem:s20], [sflag:$0x2] =	stream.indirect_vreg.gather [hbm4b:s8+s5], $0x80, v4, vm1, $0xb8;
	[tilespmem:$0x18100] =	vst v63  }
0x263: {  	s20 =	simm.s32 $0xCD00  }
0x264: {  	[tilespmem:s20], [sflag:$0x2] =	stream.indirect_vreg.gather [hbm4b:s2+s5], $0x80, v3, vm0, $0xb8;
	[tilespmem:$0x18100] =	vst v63  }
0x265: {  	s20 =	simm.s32 $0xD500  }
0x266: {  	[tilespmem:s20], [sflag:$0x2] =	stream.indirect_vreg.gather [hbm4b:s8+s5], $0x80, v3, vm1, $0xb8;
	[tilespmem:$0x18100] =	vst v63  }
0x267: {  	v3 =	vld [tilespmem:$0x10];
	_ =	sdelay $0x4  }
0x268: {  	v49 =	vshrl.u32 v3, $0x3  }
0x269: {  	v4 =	vmul.u32 $0x18, v49  }
0x26a: {  	v3 =	vand.u32 $0x7, v3  }
0x26b: {  	v3 =	vor.u32 v3, v4  }
0x26c: {  	v4 =	vperm.xlane v3, v0;
	_ =	sdelay $0x1  }
0x26d: {  	v4 =	vadd.s32 v1, v4;
	_ =	sdelay $0x1  }
0x26e: {  	v3 =	vperm.xlane v3, v2;
	_ =	sdelay $0x1  }
0x26f: {  	s20 =	simm.s32 $0xD900;
	v3 =	vadd.s32 v1, v3  }
0x270: {  	[tilespmem:s20], [sflag:$0x2] =	stream.indirect_vreg.gather [hbm4b:s2+s5], $0x80, v4, vm0, $0xb8;
	[tilespmem:$0x18100] =	vst v63  }
0x271: {  	s20 =	simm.s32 $0xE100  }
0x272: {  	[tilespmem:s20], [sflag:$0x2] =	stream.indirect_vreg.gather [hbm4b:s8+s5], $0x80, v4, vm1, $0xb8;
	[tilespmem:$0x18100] =	vst v63  }
0x273: {  	s20 =	simm.s32 $0xE500  }
0x274: {  	[tilespmem:s20], [sflag:$0x2] =	stream.indirect_vreg.gather [hbm4b:s2+s5], $0x80, v3, vm0, $0xb8;
	[tilespmem:$0x18100] =	vst v63  }
0x275: {  	s20 =	simm.s32 $0xED00  }
0x276: {  	[tilespmem:s20], [sflag:$0x2] =	stream.indirect_vreg.gather [hbm4b:s8+s5], $0x80, v3, vm1, $0xb8;
	[tilespmem:$0x18100] =	vst v63  }
0x277: {  	v3 =	vld [tilespmem:$0x20];
	_ =	sdelay $0x4  }
0x278: {  	v50 =	vshrl.u32 v3, $0x3  }
0x279: {  	v4 =	vmul.u32 $0x18, v50  }
0x27a: {  	v3 =	vand.u32 $0x7, v3  }
0x27b: {  	v3 =	vor.u32 v3, v4  }
0x27c: {  	v4 =	vperm.xlane v3, v0;
	_ =	sdelay $0x1  }
0x27d: {  	v4 =	vadd.s32 v1, v4;
	_ =	sdelay $0x1  }
0x27e: {  	v3 =	vperm.xlane v3, v2;
	_ =	sdelay $0x1  }
0x27f: {  	s20 =	simm.s32 $0xF100;
	v3 =	vadd.s32 v1, v3  }
0x280: {  	[tilespmem:s20], [sflag:$0x2] =	stream.indirect_vreg.gather [hbm4b:s2+s5], $0x80, v4, vm0, $0xb8;
	[tilespmem:$0x18100] =	vst v63  }
0x281: {  	s20 =	simm.s32 $0xF900  }
0x282: {  	[tilespmem:s20], [sflag:$0x2] =	stream.indirect_vreg.gather [hbm4b:s8+s5], $0x80, v4, vm1, $0xb8;
	[tilespmem:$0x18100] =	vst v63  }
0x283: {  	s20 =	simm.s32 $0xFD00  }
0x284: {  	[tilespmem:s20], [sflag:$0x2] =	stream.indirect_vreg.gather [hbm4b:s2+s5], $0x80, v3, vm0, $0xb8;
	[tilespmem:$0x18100] =	vst v63  }
0x285: {  	s20 =	simm.s32 $0x10500  }
0x286: {  	[tilespmem:s20], [sflag:$0x2] =	stream.indirect_vreg.gather [hbm4b:s8+s5], $0x80, v3, vm1, $0xb8;
	[tilespmem:$0x18100] =	vst v63  }
0x287: {  	v3 =	vld [tilespmem:$0x30];
	_ =	sdelay $0x4  }
0x288: {  	v51 =	vshrl.u32 v3, $0x3  }
0x289: {  	v4 =	vmul.u32 $0x18, v51  }
0x28a: {  	v3 =	vand.u32 $0x7, v3  }
0x28b: {  	v3 =	vor.u32 v3, v4  }
0x28c: {  	v4 =	vperm.xlane v3, v0;
	_ =	sdelay $0x1  }
0x28d: {  	v4 =	vadd.s32 v1, v4;
	_ =	sdelay $0x1  }
0x28e: {  	v3 =	vperm.xlane v3, v2;
	_ =	sdelay $0x1  }
0x28f: {  	s20 =	simm.s32 $0x10900;
	v3 =	vadd.s32 v1, v3  }
0x290: {  	[tilespmem:s20], [sflag:$0x2] =	stream.indirect_vreg.gather [hbm4b:s2+s5], $0x80, v4, vm0, $0xb8;
	[tilespmem:$0x18100] =	vst v63  }
0x291: {  	s20 =	simm.s32 $0x11100  }
0x292: {  	[tilespmem:s20], [sflag:$0x2] =	stream.indirect_vreg.gather [hbm4b:s8+s5], $0x80, v4, vm1, $0xb8;
	[tilespmem:$0x18100] =	vst v63  }
0x293: {  	s25 =	simm.s32 $0x11500  }
0x294: {  	[tilespmem:s25], [sflag:$0x2] =	stream.indirect_vreg.gather [hbm4b:s2+s5], $0x80, v3, vm0, $0xb8;
	[tilespmem:$0x18100] =	vst v63  }
0x295: {  	s25 =	simm.s32 $0x11D00  }
0x296: {  	[tilespmem:s25], [sflag:$0x2] =	stream.indirect_vreg.gather [hbm4b:s8+s5], $0x80, v3, vm1, $0xb8;
	[tilespmem:$0x18100] =	vst v63  }
0x297: {  	v3 =	vld [tilespmem:$0x40];
	_ =	sdelay $0x4  }
0x298: {  	v52 =	vshrl.u32 v3, $0x3  }
0x299: {  	v4 =	vmul.u32 $0x18, v52  }
0x29a: {  	v3 =	vand.u32 $0x7, v3  }
0x29b: {  	v3 =	vor.u32 v3, v4  }
0x29c: {  	v4 =	vperm.xlane v3, v0;
	_ =	sdelay $0x1  }
0x29d: {  	v4 =	vadd.s32 v1, v4;
	_ =	sdelay $0x1  }
0x29e: {  	v3 =	vperm.xlane v3, v2;
	_ =	sdelay $0x1  }
0x29f: {  	s26 =	simm.s32 $0x12100;
	v3 =	vadd.s32 v1, v3  }
0x2a0: {  	[tilespmem:s26], [sflag:$0x2] =	stream.indirect_vreg.gather [hbm4b:s2+s5], $0x80, v4, vm0, $0xb8;
	[tilespmem:$0x18100] =	vst v63  }
0x2a1: {  	s28 =	simm.s32 $0x12900  }
0x2a2: {  	[tilespmem:s28], [sflag:$0x2] =	stream.indirect_vreg.gather [hbm4b:s8+s5], $0x80, v4, vm1, $0xb8;
	[tilespmem:$0x18100] =	vst v63  }
0x2a3: {  	s29 =	simm.s32 $0x12D00  }
0x2a4: {  	[tilespmem:s29], [sflag:$0x2] =	stream.indirect_vreg.gather [hbm4b:s2+s5], $0x80, v3, vm0, $0xb8;
	[tilespmem:$0x18100] =	vst v63  }
0x2a5: {  	s21 =	simm.s32 $0x13500  }
0x2a6: {  	[tilespmem:s21], [sflag:$0x2] =	stream.indirect_vreg.gather [hbm4b:s8+s5], $0x80, v3, vm1, $0xb8;
	[tilespmem:$0x18100] =	vst v63  }
0x2a7: {  	v3 =	vld [tilespmem:$0x50];
	_ =	sdelay $0x4  }
0x2a8: {  	v53 =	vshrl.u32 v3, $0x3  }
0x2a9: {  	v4 =	vmul.u32 $0x18, v53  }
0x2aa: {  	v3 =	vand.u32 $0x7, v3  }
0x2ab: {  	v3 =	vor.u32 v3, v4  }
0x2ac: {  	v4 =	vperm.xlane v3, v0;
	_ =	sdelay $0x1  }
0x2ad: {  	v4 =	vadd.s32 v1, v4;
	_ =	sdelay $0x1  }
0x2ae: {  	v3 =	vperm.xlane v3, v2;
	_ =	sdelay $0x1  }
0x2af: {  	s29 =	simm.s32 $0x13900;
	v3 =	vadd.s32 v1, v3  }
0x2b0: {  	[tilespmem:s29], [sflag:$0x2] =	stream.indirect_vreg.gather [hbm4b:s2+s5], $0x80, v4, vm0, $0xb8;
	[tilespmem:$0x18100] =	vst v63  }
0x2b1: {  	s20 =	simm.s32 $0x14100  }
0x2b2: {  	[tilespmem:s20], [sflag:$0x2] =	stream.indirect_vreg.gather [hbm4b:s8+s5], $0x80, v4, vm1, $0xb8;
	[tilespmem:$0x18100] =	vst v63  }
0x2b3: {  	s21 =	simm.s32 $0x14500  }
0x2b4: {  	[tilespmem:s21], [sflag:$0x2] =	stream.indirect_vreg.gather [hbm4b:s2+s5], $0x80, v3, vm0, $0xb8;
	[tilespmem:$0x18100] =	vst v63  }
0x2b5: {  	s23 =	simm.s32 $0x14D00  }
0x2b6: {  	[tilespmem:s23], [sflag:$0x2] =	stream.indirect_vreg.gather [hbm4b:s8+s5], $0x80, v3, vm1, $0xb8;
	[tilespmem:$0x18100] =	vst v63  }
0x2b7: {  	v3 =	vld [tilespmem:$0x60];
	_ =	sdelay $0x4  }
0x2b8: {  	v54 =	vshrl.u32 v3, $0x3  }
0x2b9: {  	v4 =	vmul.u32 $0x18, v54  }
0x2ba: {  	v3 =	vand.u32 $0x7, v3  }
0x2bb: {  	v3 =	vor.u32 v3, v4  }
0x2bc: {  	v4 =	vperm.xlane v3, v0;
	_ =	sdelay $0x1  }
0x2bd: {  	v4 =	vadd.s32 v1, v4;
	_ =	sdelay $0x1  }
0x2be: {  	v3 =	vperm.xlane v3, v2;
	_ =	sdelay $0x1  }
0x2bf: {  	v3 =	vadd.s32 v1, v3  }
0x2c0: {  	[tilespmem:s12], [sflag:$0x2] =	stream.indirect_vreg.gather [hbm4b:s2+s5], $0x80, v4, vm0, $0xb8;
	[tilespmem:$0x18100] =	vst v63  }
0x2c1: {  	_ = 	snop  }
0x2c2: {  	[tilespmem:s13], [sflag:$0x2] =	stream.indirect_vreg.gather [hbm4b:s8+s5], $0x80, v4, vm1, $0xb8;
	[tilespmem:$0x18100] =	vst v63  }
0x2c3: {  	_ = 	snop  }
0x2c4: {  	[tilespmem:s14], [sflag:$0x2] =	stream.indirect_vreg.gather [hbm4b:s2+s5], $0x80, v3, vm0, $0xb8;
	[tilespmem:$0x18100] =	vst v63  }
0x2c5: {  	_ = 	snop  }
0x2c6: {  	[tilespmem:s15], [sflag:$0x2] =	stream.indirect_vreg.gather [hbm4b:s8+s5], $0x80, v3, vm1, $0xb8;
	[tilespmem:$0x18100] =	vst v63  }
0x2c7: {  	v3 =	vld [tilespmem:$0x70];
	_ =	sdelay $0x4  }
0x2c8: {  	v55 =	vshrl.u32 v3, $0x3  }
0x2c9: {  	v4 =	vmul.u32 $0x18, v55  }
0x2ca: {  	v3 =	vand.u32 $0x7, v3  }
0x2cb: {  	v3 =	vor.u32 v3, v4  }
0x2cc: {  	v4 =	vperm.xlane v3, v0;
	_ =	sdelay $0x1  }
0x2cd: {  	v4 =	vadd.s32 v1, v4;
	_ =	sdelay $0x1  }
0x2ce: {  	v3 =	vperm.xlane v3, v2;
	_ =	sdelay $0x1  }
0x2cf: {  	v3 =	vadd.s32 v1, v3  }
0x2d0: {  	[tilespmem:s16], [sflag:$0x2] =	stream.indirect_vreg.gather [hbm4b:s2+s5], $0x80, v4, vm0, $0xb8;
	[tilespmem:$0x18100] =	vst v63  }
0x2d1: {  	_ = 	snop  }
0x2d2: {  	[tilespmem:s17], [sflag:$0x2] =	stream.indirect_vreg.gather [hbm4b:s8+s5], $0x80, v4, vm1, $0xb8;
	[tilespmem:$0x18100] =	vst v63  }
0x2d3: {  	_ = 	snop  }
0x2d4: {  	[tilespmem:s18], [sflag:$0x2] =	stream.indirect_vreg.gather [hbm4b:s2+s5], $0x80, v3, vm0, $0xb8;
	[tilespmem:$0x18100] =	vst v63  }
0x2d5: {  	_ = 	snop  }
0x2d6: {  	[tilespmem:s19], [sflag:$0x2] =	stream.indirect_vreg.gather [hbm4b:s8+s5], $0x80, v3, vm1, $0xb8;
	[tilespmem:$0x18100] =	vst v63  }
0x2d7: {  	_ =	swait.ge [sflag:s30], $0xC000  }
0x2d8: {  	[sflag:s30] =	ssyncset.done $0x0  }
0x2d9: {  	s25 =	rddreg [dreg:$0x14];
	[sflag:s30] =	ssyncadd.s32 $0xFFFF4000  }
0x2da: {  	[hbm4b:s25+s5] =	stream.linear.scatter [tilespmem:s11], [sflag:$0x3], $0xC000, $0x38;
	[tilespmem:$0x18100] =	vst v63  }
0x2db: {  	s26 =	rddreg [dreg:$0x15]  }
0x2dc: {  	[hbm4b:s26+s5] =	stream.linear.scatter [tilespmem:s11], [sflag:$0x3], $0xC000, $0x38;
	[tilespmem:$0x18100] =	vst v63  }
0x2dd: {  	_ =	swait.ge [sflag:s31], $0xC000  }
0x2de: {  	[sflag:s31] =	ssyncset.done $0x0  }
0x2df: {  	[sflag:s31] =	ssyncadd.s32 $0xFFFF4000  }
0x2e0: {  	_ =	swait.ge [sflag:s31], $0xC000  }
0x2e1: {  	[sflag:s31] =	ssyncset.done $0x0  }
0x2e2: {  	[sflag:s31] =	ssyncadd.s32 $0xFFFF4000  }
0x2e3: {  	v3 =	vld [tilespmem:$0x80];
	_ =	sdelay $0x4  }
0x2e4: {  	v56 =	vshrl.u32 v3, $0x3  }
0x2e5: {  	v4 =	vmul.u32 $0x18, v56  }
0x2e6: {  	v3 =	vand.u32 $0x7, v3  }
0x2e7: {  	v3 =	vor.u32 v3, v4  }
0x2e8: {  	v4 =	vperm.xlane v3, v0;
	_ =	sdelay $0x1  }
0x2e9: {  	v4 =	vadd.s32 v1, v4;
	_ =	sdelay $0x1  }
0x2ea: {  	v3 =	vperm.xlane v3, v2;
	_ =	sdelay $0x1  }
0x2eb: {  	v3 =	vadd.s32 v1, v3  }
0x2ec: {  	[tilespmem:s11], [sflag:$0x1] =	stream.indirect_vreg.gather [hbm4b:s2+s5], $0x80, v4, vm0, $0xb8;
	[tilespmem:$0x18100] =	vst v63  }
0x2ed: {  	s28 =	simm.s32 $0x900  }
0x2ee: {  	[tilespmem:s28], [sflag:$0x1] =	stream.indirect_vreg.gather [hbm4b:s8+s5], $0x80, v4, vm1, $0xb8;
	[tilespmem:$0x18100] =	vst v63  }
0x2ef: {  	s29 =	simm.s32 $0xD00  }
0x2f0: {  	[tilespmem:s29], [sflag:$0x1] =	stream.indirect_vreg.gather [hbm4b:s2+s5], $0x80, v3, vm0, $0xb8;
	[tilespmem:$0x18100] =	vst v63  }
0x2f1: {  	s12 =	simm.s32 $0x1500  }
0x2f2: {  	[tilespmem:s12], [sflag:$0x1] =	stream.indirect_vreg.gather [hbm4b:s8+s5], $0x80, v3, vm1, $0xb8;
	[tilespmem:$0x18100] =	vst v63  }
0x2f3: {  	v3 =	vld [tilespmem:$0x90];
	_ =	sdelay $0x4  }
0x2f4: {  	v57 =	vshrl.u32 v3, $0x3  }
0x2f5: {  	v4 =	vmul.u32 $0x18, v57  }
0x2f6: {  	v3 =	vand.u32 $0x7, v3  }
0x2f7: {  	v3 =	vor.u32 v3, v4  }
0x2f8: {  	v4 =	vperm.xlane v3, v0;
	_ =	sdelay $0x1  }
0x2f9: {  	v4 =	vadd.s32 v1, v4;
	_ =	sdelay $0x1  }
0x2fa: {  	v3 =	vperm.xlane v3, v2;
	_ =	sdelay $0x1  }
0x2fb: {  	s13 =	simm.s32 $0x1900;
	v3 =	vadd.s32 v1, v3  }
0x2fc: {  	[tilespmem:s13], [sflag:$0x1] =	stream.indirect_vreg.gather [hbm4b:s2+s5], $0x80, v4, vm0, $0xb8;
	[tilespmem:$0x18100] =	vst v63  }
0x2fd: {  	s14 =	simm.s32 $0x2100  }
0x2fe: {  	[tilespmem:s14], [sflag:$0x1] =	stream.indirect_vreg.gather [hbm4b:s8+s5], $0x80, v4, vm1, $0xb8;
	[tilespmem:$0x18100] =	vst v63  }
0x2ff: {  	s15 =	simm.s32 $0x2500  }
0x300: {  	[tilespmem:s15], [sflag:$0x1] =	stream.indirect_vreg.gather [hbm4b:s2+s5], $0x80, v3, vm0, $0xb8;
	[tilespmem:$0x18100] =	vst v63  }
0x301: {  	s16 =	simm.s32 $0x2D00  }
0x302: {  	[tilespmem:s16], [sflag:$0x1] =	stream.indirect_vreg.gather [hbm4b:s8+s5], $0x80, v3, vm1, $0xb8;
	[tilespmem:$0x18100] =	vst v63  }
0x303: {  	v3 =	vld [tilespmem:$0xA0];
	_ =	sdelay $0x4  }
0x304: {  	v58 =	vshrl.u32 v3, $0x3  }
0x305: {  	v4 =	vmul.u32 $0x18, v58  }
0x306: {  	v3 =	vand.u32 $0x7, v3  }
0x307: {  	v3 =	vor.u32 v3, v4  }
0x308: {  	v4 =	vperm.xlane v3, v0;
	_ =	sdelay $0x1  }
0x309: {  	v4 =	vadd.s32 v1, v4;
	_ =	sdelay $0x1  }
0x30a: {  	v3 =	vperm.xlane v3, v2;
	_ =	sdelay $0x1  }
0x30b: {  	s24 =	simm.s32 $0x3100;
	v3 =	vadd.s32 v1, v3  }
0x30c: {  	[tilespmem:s24], [sflag:$0x1] =	stream.indirect_vreg.gather [hbm4b:s2+s5], $0x80, v4, vm0, $0xb8;
	[tilespmem:$0x18100] =	vst v63  }
0x30d: {  	s17 =	simm.s32 $0x3900  }
0x30e: {  	[tilespmem:s17], [sflag:$0x1] =	stream.indirect_vreg.gather [hbm4b:s8+s5], $0x80, v4, vm1, $0xb8;
	[tilespmem:$0x18100] =	vst v63  }
0x30f: {  	s18 =	simm.s32 $0x3D00  }
0x310: {  	[tilespmem:s18], [sflag:$0x1] =	stream.indirect_vreg.gather [hbm4b:s2+s5], $0x80, v3, vm0, $0xb8;
	[tilespmem:$0x18100] =	vst v63  }
0x311: {  	s19 =	simm.s32 $0x4500  }
0x312: {  	[tilespmem:s19], [sflag:$0x1] =	stream.indirect_vreg.gather [hbm4b:s8+s5], $0x80, v3, vm1, $0xb8;
	[tilespmem:$0x18100] =	vst v63  }
0x313: {  	v3 =	vld [tilespmem:$0xB0];
	_ =	sdelay $0x4  }
0x314: {  	v59 =	vshrl.u32 v3, $0x3  }
0x315: {  	v4 =	vmul.u32 $0x18, v59  }
0x316: {  	v3 =	vand.u32 $0x7, v3  }
0x317: {  	v3 =	vor.u32 v3, v4  }
0x318: {  	v4 =	vperm.xlane v3, v0;
	_ =	sdelay $0x1  }
0x319: {  	v4 =	vadd.s32 v1, v4;
	_ =	sdelay $0x1  }
0x31a: {  	v3 =	vperm.xlane v3, v2;
	_ =	sdelay $0x1  }
0x31b: {  	s20 =	simm.s32 $0x4900;
	v3 =	vadd.s32 v1, v3  }
0x31c: {  	[tilespmem:s20], [sflag:$0x1] =	stream.indirect_vreg.gather [hbm4b:s2+s5], $0x80, v4, vm0, $0xb8;
	[tilespmem:$0x18100] =	vst v63  }
0x31d: {  	s21 =	simm.s32 $0x5100  }
0x31e: {  	[tilespmem:s21], [sflag:$0x1] =	stream.indirect_vreg.gather [hbm4b:s8+s5], $0x80, v4, vm1, $0xb8;
	[tilespmem:$0x18100] =	vst v63  }
0x31f: {  	s23 =	simm.s32 $0x5500  }
0x320: {  	[tilespmem:s23], [sflag:$0x1] =	stream.indirect_vreg.gather [hbm4b:s2+s5], $0x80, v3, vm0, $0xb8;
	[tilespmem:$0x18100] =	vst v63  }
0x321: {  	s24 =	simm.s32 $0x5D00  }
0x322: {  	[tilespmem:s24], [sflag:$0x1] =	stream.indirect_vreg.gather [hbm4b:s8+s5], $0x80, v3, vm1, $0xb8;
	[tilespmem:$0x18100] =	vst v63  }
0x323: {  	v3 =	vld [tilespmem:$0xC0];
	_ =	sdelay $0x4  }
0x324: {  	v60 =	vshrl.u32 v3, $0x3  }
0x325: {  	v4 =	vmul.u32 $0x18, v60  }
0x326: {  	v3 =	vand.u32 $0x7, v3  }
0x327: {  	v3 =	vor.u32 v3, v4  }
0x328: {  	v4 =	vperm.xlane v3, v0;
	_ =	sdelay $0x1  }
0x329: {  	v4 =	vadd.s32 v1, v4;
	_ =	sdelay $0x1  }
0x32a: {  	v3 =	vperm.xlane v3, v2;
	_ =	sdelay $0x1  }
0x32b: {  	s25 =	simm.s32 $0x6100;
	v3 =	vadd.s32 v1, v3  }
0x32c: {  	[tilespmem:s25], [sflag:$0x1] =	stream.indirect_vreg.gather [hbm4b:s2+s5], $0x80, v4, vm0, $0xb8;
	[tilespmem:$0x18100] =	vst v63  }
0x32d: {  	s26 =	simm.s32 $0x6900  }
0x32e: {  	[tilespmem:s26], [sflag:$0x1] =	stream.indirect_vreg.gather [hbm4b:s8+s5], $0x80, v4, vm1, $0xb8;
	[tilespmem:$0x18100] =	vst v63  }
0x32f: {  	s28 =	simm.s32 $0x6D00  }
0x330: {  	[tilespmem:s28], [sflag:$0x1] =	stream.indirect_vreg.gather [hbm4b:s2+s5], $0x80, v3, vm0, $0xb8;
	[tilespmem:$0x18100] =	vst v63  }
0x331: {  	s29 =	simm.s32 $0x7500  }
0x332: {  	[tilespmem:s29], [sflag:$0x1] =	stream.indirect_vreg.gather [hbm4b:s8+s5], $0x80, v3, vm1, $0xb8;
	[tilespmem:$0x18100] =	vst v63  }
0x333: {  	v3 =	vld [tilespmem:$0xD0];
	_ =	sdelay $0x4  }
0x334: {  	v61 =	vshrl.u32 v3, $0x3  }
0x335: {  	v4 =	vmul.u32 $0x18, v61  }
0x336: {  	v3 =	vand.u32 $0x7, v3  }
0x337: {  	v3 =	vor.u32 v3, v4  }
0x338: {  	v4 =	vperm.xlane v3, v0;
	_ =	sdelay $0x1  }
0x339: {  	v4 =	vadd.s32 v1, v4;
	_ =	sdelay $0x1  }
0x33a: {  	v3 =	vperm.xlane v3, v2;
	_ =	sdelay $0x1  }
0x33b: {  	s12 =	simm.s32 $0x7900;
	v3 =	vadd.s32 v1, v3  }
0x33c: {  	[tilespmem:s12], [sflag:$0x1] =	stream.indirect_vreg.gather [hbm4b:s2+s5], $0x80, v4, vm0, $0xb8;
	[tilespmem:$0x18100] =	vst v63  }
0x33d: {  	s13 =	simm.s32 $0x8100  }
0x33e: {  	[tilespmem:s13], [sflag:$0x1] =	stream.indirect_vreg.gather [hbm4b:s8+s5], $0x80, v4, vm1, $0xb8;
	[tilespmem:$0x18100] =	vst v63  }
0x33f: {  	s14 =	simm.s32 $0x8500  }
0x340: {  	[tilespmem:s14], [sflag:$0x1] =	stream.indirect_vreg.gather [hbm4b:s2+s5], $0x80, v3, vm0, $0xb8;
	[tilespmem:$0x18100] =	vst v63  }
0x341: {  	s15 =	simm.s32 $0x8D00  }
0x342: {  	[tilespmem:s15], [sflag:$0x1] =	stream.indirect_vreg.gather [hbm4b:s8+s5], $0x80, v3, vm1, $0xb8;
	[tilespmem:$0x18100] =	vst v63  }
0x343: {  	v3 =	vld [tilespmem:$0xE0];
	_ =	sdelay $0x4  }
0x344: {  	v62 =	vshrl.u32 v3, $0x3  }
0x345: {  	v4 =	vmul.u32 $0x18, v62  }
0x346: {  	v3 =	vand.u32 $0x7, v3  }
0x347: {  	v3 =	vor.u32 v3, v4  }
0x348: {  	v4 =	vperm.xlane v3, v0;
	_ =	sdelay $0x1  }
0x349: {  	v4 =	vadd.s32 v1, v4;
	_ =	sdelay $0x1  }
0x34a: {  	v3 =	vperm.xlane v3, v2;
	_ =	sdelay $0x1  }
0x34b: {  	s16 =	simm.s32 $0x9100;
	v3 =	vadd.s32 v1, v3  }
0x34c: {  	[tilespmem:s16], [sflag:$0x1] =	stream.indirect_vreg.gather [hbm4b:s2+s5], $0x80, v4, vm0, $0xb8;
	[tilespmem:$0x18100] =	vst v63  }
0x34d: {  	s17 =	simm.s32 $0x9900  }
0x34e: {  	[tilespmem:s17], [sflag:$0x1] =	stream.indirect_vreg.gather [hbm4b:s8+s5], $0x80, v4, vm1, $0xb8;
	[tilespmem:$0x18100] =	vst v63  }
0x34f: {  	s18 =	simm.s32 $0x9D00  }
0x350: {  	[tilespmem:s18], [sflag:$0x1] =	stream.indirect_vreg.gather [hbm4b:s2+s5], $0x80, v3, vm0, $0xb8;
	[tilespmem:$0x18100] =	vst v63  }
0x351: {  	s19 =	simm.s32 $0xA500  }
0x352: {  	[tilespmem:s19], [sflag:$0x1] =	stream.indirect_vreg.gather [hbm4b:s8+s5], $0x80, v3, vm1, $0xb8;
	[tilespmem:$0x18100] =	vst v63  }
0x353: {  	v3 =	vld [tilespmem:$0xF0];
	_ =	sdelay $0x4  }
0x354: {  	v63 =	vshrl.u32 v3, $0x3  }
0x355: {  	v4 =	vmul.u32 $0x18, v63  }
0x356: {  	v3 =	vand.u32 $0x7, v3  }
0x357: {  	v3 =	vor.u32 v3, v4  }
0x358: {  	v4 =	vperm.xlane v3, v0;
	_ =	sdelay $0x1  }
0x359: {  	v4 =	vadd.s32 v1, v4;
	_ =	sdelay $0x1  }
0x35a: {  	v3 =	vperm.xlane v3, v2;
	_ =	sdelay $0x1  }
0x35b: {  	s20 =	simm.s32 $0xA900;
	v3 =	vadd.s32 v1, v3  }
0x35c: {  	[tilespmem:s20], [sflag:$0x1] =	stream.indirect_vreg.gather [hbm4b:s2+s5], $0x80, v4, vm0, $0xb8;
	[tilespmem:$0x18100] =	vst v63  }
0x35d: {  	s21 =	simm.s32 $0xB100  }
0x35e: {  	[tilespmem:s21], [sflag:$0x1] =	stream.indirect_vreg.gather [hbm4b:s8+s5], $0x80, v4, vm1, $0xb8;
	[tilespmem:$0x18100] =	vst v63  }
0x35f: {  	s23 =	simm.s32 $0xB500  }
0x360: {  	[tilespmem:s23], [sflag:$0x1] =	stream.indirect_vreg.gather [hbm4b:s2+s5], $0x80, v3, vm0, $0xb8;
	[tilespmem:$0x18100] =	vst v63  }
0x361: {  	s24 =	simm.s32 $0xBD00  }
0x362: {  	[tilespmem:s24], [sflag:$0x1] =	stream.indirect_vreg.gather [hbm4b:s8+s5], $0x80, v3, vm1, $0xb8;
	[tilespmem:$0x18100] =	vst v63  }
0x363: {  	_ =	swait.ge [sflag:s3], $0xC000  }
0x364: {  	[sflag:s3] =	ssyncset.done $0x0  }
0x365: {  	s25 =	rddreg [dreg:$0x16];
	[sflag:s3] =	ssyncadd.s32 $0xFFFF4000  }
0x366: {  	[hbm4b:s25+s5] =	stream.linear.scatter [tilespmem:s22], [sflag:$0x4], $0xC000, $0x38;
	[tilespmem:$0x18100] =	vst v63  }
0x367: {  	s26 =	rddreg [dreg:$0x17]  }
0x368: {  	[hbm4b:s26+s5] =	stream.linear.scatter [tilespmem:s22], [sflag:$0x4], $0xC000, $0x38;
	[tilespmem:$0x18100] =	vst v63  }
0x369: {  	_ =	swait.ge [sflag:s30], $0xC000  }
0x36a: {  	[sflag:s30] =	ssyncset.done $0x0  }
0x36b: {  	s28 =	rddreg [dreg:$0x18];
	[sflag:s30] =	ssyncadd.s32 $0xFFFF4000  }
0x36c: {  	[hbm4b:s28+s5] =	stream.linear.scatter [tilespmem:s11], [sflag:$0x3], $0xC000, $0x38;
	[tilespmem:$0x18100] =	vst v63  }
0x36d: {  	s29 =	rddreg [dreg:$0x19]  }
0x36e: {  	[hbm4b:s29+s5] =	stream.linear.scatter [tilespmem:s11], [sflag:$0x3], $0xC000, $0x38;
	[tilespmem:$0x18100] =	vst v63  }
0x36f: {  	_ =	swait.ge [sflag:s4], $0xC000  }
0x370: {  	[sflag:s4] =	ssyncset.done $0x0  }
0x371: {  	[sflag:s4] =	ssyncadd.s32 $0xFFFF4000  }
0x372: {  	_ =	swait.ge [sflag:s4], $0xC000  }
0x373: {  	[sflag:s4] =	ssyncset.done $0x0  }
0x374: {  	[sflag:s4] =	ssyncadd.s32 $0xFFFF4000  }
0x375: {  	p0 =	sne.s32 s9, $0x1;
	_ =	swait.ge [sflag:s31], $0xC000  }
.Ltmp0:
0x376: {  	[sflag:s31] =	ssyncset.done $0x0;
	(pc) =	sbr.rel @p0 .LBB2_1-.Ltmp0, $4  }
0x377: {  	[sflag:s31] =	ssyncadd.s32 $0xFFFF4000  }
0x378: {  	_ =	swait.ge [sflag:s31], $0xC000  }
0x379: {  	[sflag:s31] =	ssyncset.done $0x0  }
0x37a: {  	s9 =	sadd.s32 $0xFFFFFFFF, s9;
	[sflag:s31] =	ssyncadd.s32 $0xFFFF4000  }
0x37b: {  	_ =	sfence.sel $0x180000  }
0x37c: {  	[bflag:$0x0] =	sbarrier.arrive $0xFFFF  }
0x37d: {  	_ =	strace $0x90000047  }
0x37e: {  	s0 =	stileid.u32;
	[bflag:$0x2] =	sbarrier.arrive $0xFFFF  }
0x37f: {  	p0 =	sne.s32 s0, $0x0;
	s0 =	rddreg [dreg:$0xa]  }
0x380: {  	s0 =	sadd.s32 @!p0 $0x100000, s0  }
0x381: {  	[sflag:s0] =	ssyncadd.tile.s32 @!p0 $0x1;
	_ =	shalt  }
.Lfunc_end2:
_tile_overlayer_lowered:
.L_overlay_start_2:
0x382: {  	(tag) =	ssettag $0x2  }
0x383: {  	s0 =	rddreg [dreg:$0x0];
	s2 =	stileid.u32  }
0x384: {  	s1 =	rddreg [dreg:$0x1];
	p0 =	sne.s32 s2, $0x0  }
0x385: {  	s3 =	rddreg [dreg:$0x2];
	[bflag:$0x3] =	sbarrier.arrive $0xFFFF;
	s2 =	simm.s32 @!p0 $0x1C05  }
0x386: {  	[timem:s3], [sflag:s2] =	dma.local @!p0 [hbm:s0], s1  }
0x387: {  	s0 =	simm.s32 @!p0 $0x5  }
0x388: {  	_ =	swait.ge @!p0 [sflag:s0], s1  }
0x389: {  	s1 =	ssub.s32 @!p0 $0x0, s1;
	[sflag:s0] =	ssyncset.done @!p0 $0x0  }
0x38a: {  	[sflag:s0] =	ssyncadd.s32 @!p0 s1  }
0x38b: {  	[bflag:$0x3] =	sbarrier.arrive $0xFFFF  }
0x38c: {  	_ =	shalt  }

</sc_bundles>
